<compile_context>
chip_gen: v7x
topology: tpu7x:2x2x1
jax: 0.10.2.dev20260603
libtpu: 0.0.44.dev20260713+nightly
codegen_flags: <defaults>
</compile_context>

<pallas_src>
import functools

import jax
import jax.numpy as jnp
from jax import lax
from jax.experimental import pallas as pl
from jax.experimental.pallas import tpu as pltpu
from jax.experimental.pallas import tpu_sc as plsc

N = 10000
D = 128
E = 320000

NC = 2
NS = 16
NW = NC * NS

K = 80
CPW = 125
EPW = CPW * K
NP = 10000
RPT = 632
RPT_LAST = NP - 15 * RPT

_mesh = lambda: plsc.VectorSubcoreMesh(core_axis_name="c", subcore_axis_name="s")



def _deg_body(col_hbm, out_hbm, cidx, hist):
    c = lax.axis_index("c")
    s = lax.axis_index("s")
    wid = s * NC + c
    pltpu.sync_copy(col_hbm.at[pl.ds(wid * EPW, EPW)], cidx)
    zeros16 = jnp.zeros((16,), jnp.float32)

    def zstep(i, _):
        hist[pl.ds(i * 16, 16)] = zeros16
        return _

    lax.fori_loop(0, NP // 16, zstep, None)
    ones16 = jnp.ones((16,), jnp.float32)

    def step(j, _):
        ids = cidx[pl.ds(j * 16, 16)]
        plsc.addupdate_scatter(hist, [ids], ones16)
        return _

    lax.fori_loop(0, EPW // 16, step, None)
    pltpu.sync_copy(hist, out_hbm.at[pl.ds(wid * NP, NP)])


_deg_kernel = functools.partial(
    pl.kernel,
    out_type=jax.ShapeDtypeStruct((NW * NP,), jnp.float32),
    mesh=_mesh(),
    scratch_types=[
        pltpu.VMEM((EPW,), jnp.int32),
        pltpu.VMEM((NP,), jnp.float32),
    ],
    compiler_params=pltpu.CompilerParams(needs_layout_passes=False),
)(_deg_body)



def _edge_body(hs_hbm, row_hbm, col_hbm, zeros_hbm, out_hbm,
               ridx, cidx, rows0, rows1, rows2, acc_sh,
               gs0, gs1, gs2, ss0, ss1, ss2):
    c = lax.axis_index("c")
    s = lax.axis_index("s")
    wid = s * NC + c

    @pl.when(s < NS - 1)
    def _():
        pltpu.sync_copy(zeros_hbm, acc_sh.at[pl.ds(s * RPT, RPT)])

    @pl.when(s == NS - 1)
    def _():
        pltpu.sync_copy(zeros_hbm.at[pl.ds(0, RPT_LAST)],
                        acc_sh.at[pl.ds((NS - 1) * RPT, RPT_LAST)])

    plsc.subcore_barrier()

    bufs = (rows0, rows1, rows2)
    gsems = (gs0, gs1, gs2)
    ssems = (ss0, ss1, ss2)

    base = wid * EPW
    pltpu.sync_copy(row_hbm.at[pl.ds(base, EPW)], ridx)
    pltpu.sync_copy(col_hbm.at[pl.ds(base, EPW)], cidx)
    pltpu.async_copy(hs_hbm.at[ridx.at[pl.ds(0, K)]], rows0, gs0)
    pltpu.async_copy(hs_hbm.at[ridx.at[pl.ds(K, K)]], rows1, gs1)

    def chunk(i, t):
        buf = bufs[t]
        tn = (t + 2) % 3
        pltpu.make_async_copy(
            hs_hbm.at[ridx.at[pl.ds(i * K, K)]], buf, gsems[t]).wait()
        pltpu.async_copy(
            buf, acc_sh.at[cidx.at[pl.ds(i * K, K)]], ssems[t], add=True)

        @pl.when(jnp.logical_and(i + 2 < CPW, i >= 1))
        def _():
            pltpu.make_async_copy(
                bufs[tn], acc_sh.at[cidx.at[pl.ds(0, K)]], ssems[tn]).wait()

        @pl.when(i + 2 < CPW)
        def _():
            pltpu.async_copy(
                hs_hbm.at[ridx.at[pl.ds((i + 2) * K, K)]], bufs[tn], gsems[tn])

    def triple(j, _):
        for b in range(3):
            chunk(3 * j + b, b)
        return _

    lax.fori_loop(0, CPW // 3, triple, None)
    for i in range(3 * (CPW // 3), CPW):
        chunk(i, i % 3)
    for i in range(CPW - 3, CPW):
        pltpu.make_async_copy(
            bufs[i % 3], acc_sh.at[cidx.at[pl.ds(0, K)]], ssems[i % 3]).wait()
    plsc.subcore_barrier()

    @pl.when(s < NS - 1)
    def _():
        pltpu.sync_copy(acc_sh.at[pl.ds(s * RPT, RPT)],
                        out_hbm.at[pl.ds(c * NP + s * RPT, RPT)])

    @pl.when(s == NS - 1)
    def _():
        pltpu.sync_copy(acc_sh.at[pl.ds((NS - 1) * RPT, RPT_LAST)],
                        out_hbm.at[pl.ds(c * NP + (NS - 1) * RPT, RPT_LAST)])


_edge_kernel = functools.partial(
    pl.kernel,
    out_type=jax.ShapeDtypeStruct((NC * NP, D), jnp.float32),
    mesh=_mesh(),
    scratch_types=[
        pltpu.VMEM((EPW,), jnp.int32),
        pltpu.VMEM((EPW,), jnp.int32),
        pltpu.VMEM((K, D), jnp.float32),
        pltpu.VMEM((K, D), jnp.float32),
        pltpu.VMEM((K, D), jnp.float32),
        pltpu.VMEM_SHARED((NP, D), jnp.float32),
        pltpu.SemaphoreType.DMA,
        pltpu.SemaphoreType.DMA,
        pltpu.SemaphoreType.DMA,
        pltpu.SemaphoreType.DMA,
        pltpu.SemaphoreType.DMA,
        pltpu.SemaphoreType.DMA,
    ],
)(_edge_body)



BR = 2000


def _linear_body(x_ref, w_ref, degp_ref, hs_ref, dinv_ref):
    deg = jnp.sum(degp_ref[...], axis=1, keepdims=True) + 1.0
    dinv = lax.rsqrt(deg)
    h = jnp.dot(x_ref[...], w_ref[...], preferred_element_type=jnp.float32)
    hs_ref[...] = h * dinv
    dinv_ref[...] = dinv


def _linear_tc(x, w, degp):
    return pl.pallas_call(
        _linear_body,
        grid=(N // BR,),
        in_specs=[
            pl.BlockSpec((BR, D), lambda i: (i, 0)),
            pl.BlockSpec((D, D), lambda i: (0, 0)),
            pl.BlockSpec((BR, NW), lambda i: (i, 0)),
        ],
        out_specs=[
            pl.BlockSpec((BR, D), lambda i: (i, 0)),
            pl.BlockSpec((BR, 1), lambda i: (i, 0)),
        ],
        out_shape=[
            jax.ShapeDtypeStruct((N, D), jnp.float32),
            jax.ShapeDtypeStruct((N, 1), jnp.float32),
        ],
    )(x, w, degp)



def _finish_body(accp_ref, hs_ref, dinv_ref, b_ref, out_ref):
    acc = accp_ref[0] + accp_ref[1] + hs_ref[...]
    out_ref[...] = jnp.maximum(acc * dinv_ref[...] + b_ref[...], 0.0)


def _finish_tc(accp, hs, dinv, b2):
    return pl.pallas_call(
        _finish_body,
        grid=(N // BR,),
        in_specs=[
            pl.BlockSpec((NC, BR, D), lambda i: (0, i, 0)),
            pl.BlockSpec((BR, D), lambda i: (i, 0)),
            pl.BlockSpec((BR, 1), lambda i: (i, 0)),
            pl.BlockSpec((1, D), lambda i: (0, 0)),
        ],
        out_specs=pl.BlockSpec((BR, D), lambda i: (i, 0)),
        out_shape=jax.ShapeDtypeStruct((N, D), jnp.float32),
    )(accp, hs, dinv, b2)



@jax.jit
def _run(A, X, W, b):
    A = A.astype(jnp.int32)
    row_p = A[0]
    col_p = A[1]

    zerosD = jnp.zeros((RPT, D), jnp.float32)

    deg_flat = _deg_kernel(col_p)
    degp = deg_flat.reshape(NW, NP).T[:N]

    hs, dinv = _linear_tc(X, W, degp)

    acc_flat = _edge_kernel(hs, row_p, col_p, zerosD)
    accp = acc_flat.reshape(NC, NP, D)

    return _finish_tc(accp, hs, dinv, b.reshape(1, D))


def kernel(A, X, W, b):
    return _run(A, X, W, b)

# --- scband reference (transcript-rebuilt; emitter-appended) ---
"""Pipeline reference for scband-gcn-48412871360961 (READ-ONLY COPY).

The authoritative reference and input builder live on the scoring server;
editing this copy changes nothing except your own understanding.
"""

import jax, jax.numpy as jnp
import numpy as np

N = 10000
E = 320000
D_IN = 128
D_OUT = 128

def setup_inputs(seed: int = 0) -> dict:
    key = jax.random.key(seed)
    k1, k2, k3, k4 = jax.random.split(key, 4)
    X = jax.random.normal(k1, (N, D_IN), dtype=jnp.float32)
    A = jax.random.randint(k2, (2, E), 0, N, dtype=jnp.int64)
    # GCNConv learned parameters (glorot weight + zero bias, PyG defaults)
    limit = np.sqrt(6.0 / (D_IN + D_OUT))
    W = jax.random.uniform(k3, (D_IN, D_OUT), dtype=jnp.float32, minval=-limit, maxval=limit)
    b = jnp.zeros((D_OUT,), dtype=jnp.float32)
    return {"A": A, "X": X, "W": W, "b": b}

def reference(A, X, W, b):
    # GCNConv: out = D^{-1/2} (A + I) D^{-1/2} X W + b, followed by ReLU
    n = X.shape[0]
    loop = jnp.arange(n, dtype=A.dtype)
    row = jnp.concatenate([A[0], loop])  # source nodes
    col = jnp.concatenate([A[1], loop])  # destination nodes
    # degree (with self-loops, edge_weight = 1)
    deg = jnp.zeros((n,), dtype=X.dtype).at[col].add(1.0)
    deg_inv_sqrt = jnp.where(deg > 0, 1.0 / jnp.sqrt(deg), 0.0)
    norm = deg_inv_sqrt[row] * deg_inv_sqrt[col]
    # linear transform
    h = X @ W
    # message passing: gather sources, scale, scatter-add to destinations
    msg = h[row] * norm[:, None]
    out = jnp.zeros((n, h.shape[1]), dtype=h.dtype).at[col].add(msg)
    out = out + b
    return jax.nn.relu(out)

if __name__ == "__main__":
    import jax
    _d = setup_inputs()
    print(jax.jit(kernel)(*tuple(_d.values())))

</pallas_src>

<mosaic_0001>
#map = affine_map<(d0, d1) -> (0)>
module attributes {stable_mosaic.version = 14 : i64} {
  func.func @_deg_body(%arg0: i32, %arg1: i32, %arg2: memref<320000xi32, #tpu.memory_space<hbm>>, %arg3: memref<320000xf32, #tpu.memory_space<hbm>>, %arg4: memref<10000xi32, #tpu.memory_space<vmem>>, %arg5: memref<10000xf32, #tpu.memory_space<vmem>>) attributes {dimension_semantics = [#tpu.dimension_semantics<core_parallel>, #tpu.dimension_semantics<subcore_parallel>], iteration_bounds = array<i64: 2, 16>, scalar_prefetch = 0 : i64, scratch_operands = 2 : i64, tpu.core_type = #tpu.core_type<sc_vector_subcore>, window_params = [{transform_indices = #map}, {transform_indices = #map}]} {
    %mul3A = arith.constant 2 : i32
    %mul3A_0 = arith.muli %arg1, %mul3A : i32
    %add3A = arith.addi %mul3A_0, %arg0 : i32
    %mul3A_1 = arith.constant 10000 : i32
    %mul3A_2 = arith.muli %add3A, %mul3A_1 : i32
    "tpu.region"() ({
      %run_scoped3A = tpu.sem_alloc : memref<!tpu.dma_semaphore, #tpu.memory_space<semaphore_mem>>
      %dma_start3A = tpu.memref_slice %arg2[%mul3A_2] : memref<320000xi32, #tpu.memory_space<hbm>> -> memref<10000xi32, #tpu.memory_space<hbm>>
      %dma_start3A_17 = tpu.memref_slice %arg2[%mul3A_2] : memref<320000xi32, #tpu.memory_space<hbm>> -> memref<10000xi32, #tpu.memory_space<hbm>>
      tpu.enqueue_dma source(%dma_start3A_17 : memref<10000xi32, #tpu.memory_space<hbm>>) target(%arg4 : memref<10000xi32, #tpu.memory_space<vmem>>) target_semaphore(%run_scoped3A : memref<!tpu.dma_semaphore, #tpu.memory_space<semaphore_mem>>)
      %dma_wait3A = tpu.memref_slice %arg2[%mul3A_2] : memref<320000xi32, #tpu.memory_space<hbm>> -> memref<10000xi32, #tpu.memory_space<hbm>>
      %dma_wait3A_18 = tpu.memref_slice %arg2[%mul3A_2] : memref<320000xi32, #tpu.memory_space<hbm>> -> memref<10000xi32, #tpu.memory_space<hbm>>
      tpu.wait_dma2 semaphore(%run_scoped3A : memref<!tpu.dma_semaphore, #tpu.memory_space<semaphore_mem>>) src(%dma_wait3A_18 : memref<10000xi32, #tpu.memory_space<hbm>>) dst(%arg4 : memref<10000xi32, #tpu.memory_space<vmem>>)
      tpu.yield
    }) : () -> ()
    %broadcast_in_dim3A = arith.constant 0.000000e+00 : f32
    %broadcast_in_dim3A_3 = vector.broadcast %broadcast_in_dim3A : f32 to vector<16xf32>
    %scan3A = arith.constant 0 : i32
    %scan3A_4 = arith.constant 625 : i32
    %scan3A_5 = arith.addi %scan3A, %scan3A_4 : i32
    %scan3A_6 = arith.constant 1 : i32
    scf.for %scan3A_17 = %scan3A to %scan3A_5 step %scan3A_6  : i32 {
      %mul3A_18 = arith.constant 16 : i32
      %mul3A_19 = arith.muli %scan3A_17, %mul3A_18 : i32
      %swap3A = arith.index_cast %mul3A_19 : i32 to index
      %swap3A_20 = tpu.vector_load %arg5[%swap3A] {strides = array<i32>} : memref<10000xf32, #tpu.memory_space<vmem>>, vector<16xf32>,
      tpu.vector_store %arg5[%swap3A], %broadcast_in_dim3A_3 {strides = array<i32>} : memref<10000xf32, #tpu.memory_space<vmem>>, vector<16xf32>,
    }
    %scan3A_7 = arith.constant 625 : i32
    %broadcast_in_dim3A_8 = arith.constant 1.000000e+00 : f32
    %broadcast_in_dim3A_9 = vector.broadcast %broadcast_in_dim3A_8 : f32 to vector<16xf32>
    %scan3A_10 = arith.constant 0 : i32
    %scan3A_11 = arith.constant 625 : i32
    %scan3A_12 = arith.addi %scan3A_10, %scan3A_11 : i32
    %scan3A_13 = arith.constant 1 : i32
    scf.for %scan3A_17 = %scan3A_10 to %scan3A_12 step %scan3A_13  : i32 {
      %mul3A_18 = arith.constant 16 : i32
      %mul3A_19 = arith.muli %scan3A_17, %mul3A_18 : i32
      %get3A = arith.index_cast %mul3A_19 : i32 to index
      %get3A_20 = tpu.vector_load %arg4[%get3A] {strides = array<i32>} : memref<10000xi32, #tpu.memory_space<vmem>>, vector<16xi32>,
      tpu.vector_store_idx %arg5[%get3A_20], %broadcast_in_dim3A_9 {add = true} : memref<10000xf32, #tpu.memory_space<vmem>>[vector<16xi32>], vector<16xf32>,
    }
    %scan3A_14 = arith.constant 625 : i32
    %mul3A_15 = arith.constant 10000 : i32
    %mul3A_16 = arith.muli %add3A, %mul3A_15 : i32
    "tpu.region"() ({
      %run_scoped3A = tpu.sem_alloc : memref<!tpu.dma_semaphore, #tpu.memory_space<semaphore_mem>>
      %dma_start3A = tpu.memref_slice %arg3[%mul3A_16] : memref<320000xf32, #tpu.memory_space<hbm>> -> memref<10000xf32, #tpu.memory_space<hbm>>
      %dma_start3A_17 = tpu.memref_slice %arg3[%mul3A_16] : memref<320000xf32, #tpu.memory_space<hbm>> -> memref<10000xf32, #tpu.memory_space<hbm>>
      tpu.enqueue_dma source(%arg5 : memref<10000xf32, #tpu.memory_space<vmem>>) target(%dma_start3A_17 : memref<10000xf32, #tpu.memory_space<hbm>>) target_semaphore(%run_scoped3A : memref<!tpu.dma_semaphore, #tpu.memory_space<semaphore_mem>>)
      %dma_wait3A = tpu.memref_slice %arg3[%mul3A_16] : memref<320000xf32, #tpu.memory_space<hbm>> -> memref<10000xf32, #tpu.memory_space<hbm>>
      %dma_wait3A_18 = tpu.memref_slice %arg3[%mul3A_16] : memref<320000xf32, #tpu.memory_space<hbm>> -> memref<10000xf32, #tpu.memory_space<hbm>>
      tpu.wait_dma2 semaphore(%run_scoped3A : memref<!tpu.dma_semaphore, #tpu.memory_space<semaphore_mem>>) src(%arg5 : memref<10000xf32, #tpu.memory_space<vmem>>) dst(%dma_wait3A_18 : memref<10000xf32, #tpu.memory_space<hbm>>)
      tpu.yield
    }) : () -> ()
    return
  }
}

#map = affine_map<(d0, d1) -> (0, 0)>
#map1 = affine_map<(d0, d1) -> (0)>
module attributes {stable_mosaic.version = 14 : i64} {
  func.func @_edge_body(%arg0: i32, %arg1: i32, %arg2: memref<10000x128xf32, #tpu.memory_space<hbm>>, %arg3: memref<320000xi32, #tpu.memory_space<hbm>>, %arg4: memref<320000xi32, #tpu.memory_space<hbm>>, %arg5: memref<632x128xf32, #tpu.memory_space<hbm>>, %arg6: memref<20000x128xf32, #tpu.memory_space<hbm>>, %arg7: memref<10000xi32, #tpu.memory_space<vmem>>, %arg8: memref<10000xi32, #tpu.memory_space<vmem>>, %arg9: memref<80x128xf32, #tpu.memory_space<vmem>>, %arg10: memref<80x128xf32, #tpu.memory_space<vmem>>, %arg11: memref<80x128xf32, #tpu.memory_space<vmem>>, %arg12: memref<10000x128xf32, #tpu.memory_space<vmem_shared>>, %arg13: memref<!tpu.dma_semaphore, #tpu.memory_space<semaphore_mem>>, %arg14: memref<!tpu.dma_semaphore, #tpu.memory_space<semaphore_mem>>, %arg15: memref<!tpu.dma_semaphore, #tpu.memory_space<semaphore_mem>>, %arg16: memref<!tpu.dma_semaphore, #tpu.memory_space<semaphore_mem>>, %arg17: memref<!tpu.dma_semaphore, #tpu.memory_space<semaphore_mem>>, %arg18: memref<!tpu.dma_semaphore, #tpu.memory_space<semaphore_mem>>) attributes {dimension_semantics = [#tpu.dimension_semantics<core_parallel>, #tpu.dimension_semantics<subcore_parallel>], iteration_bounds = array<i64: 2, 16>, scalar_prefetch = 0 : i64, scratch_operands = 12 : i64, tpu.core_type = #tpu.core_type<sc_vector_subcore>, window_params = [{transform_indices = #map}, {transform_indices = #map1}, {transform_indices = #map1}, {transform_indices = #map}, {transform_indices = #map}]} {
    %mul3A = arith.constant 2 : i32
    %mul3A_0 = arith.muli %arg1, %mul3A : i32
    %add3A = arith.addi %mul3A_0, %arg0 : i32
    %lt3A = arith.constant 15 : i32
    %lt3A_1 = arith.cmpi slt, %arg1, %lt3A : i32
    %convert_element_type3A = arith.extui %lt3A_1 : i1 to i32
    %cond3A = arith.constant 0 : i32
    %cond3A_2 = arith.cmpi ne, %convert_element_type3A, %cond3A : i32
    scf.if %cond3A_2 {
      %mul3A_78 = arith.constant 632 : i32
      %mul3A_79 = arith.muli %arg1, %mul3A_78 : i32
      "tpu.region"() ({
        %run_scoped3A = tpu.sem_alloc : memref<!tpu.dma_semaphore, #tpu.memory_space<semaphore_mem>>
        %dma_start3A_80 = arith.constant 0 : i32
        %dma_start3A_81 = tpu.memref_slice %arg12[%mul3A_79, %dma_start3A_80] : memref<10000x128xf32, #tpu.memory_space<vmem_shared>> -> memref<632x128xf32, #tpu.memory_space<vmem_shared>>
        tpu.enqueue_dma source(%arg5 : memref<632x128xf32, #tpu.memory_space<hbm>>) target(%dma_start3A_81 : memref<632x128xf32, #tpu.memory_space<vmem_shared>>) target_semaphore(%run_scoped3A : memref<!tpu.dma_semaphore, #tpu.memory_space<semaphore_mem>>)
        %dma_wait3A_82 = arith.constant 0 : i32
        %dma_wait3A_83 = tpu.memref_slice %arg12[%mul3A_79, %dma_wait3A_82] : memref<10000x128xf32, #tpu.memory_space<vmem_shared>> -> memref<632x128xf32, #tpu.memory_space<vmem_shared>>
        tpu.wait_dma2 semaphore(%run_scoped3A : memref<!tpu.dma_semaphore, #tpu.memory_space<semaphore_mem>>) src(%arg5 : memref<632x128xf32, #tpu.memory_space<hbm>>) dst(%dma_wait3A_83 : memref<632x128xf32, #tpu.memory_space<vmem_shared>>)
        tpu.yield
      }) : () -> ()
    } else {
    }
    %eq3A = arith.constant 15 : i32
    %eq3A_3 = arith.cmpi eq, %arg1, %eq3A : i32
    %convert_element_type3A_4 = arith.extui %eq3A_3 : i1 to i32
    %cond3A_5 = arith.constant 0 : i32
    %cond3A_6 = arith.cmpi ne, %convert_element_type3A_4, %cond3A_5 : i32
    scf.if %cond3A_6 {
      "tpu.region"() ({
        %run_scoped3A = tpu.sem_alloc : memref<!tpu.dma_semaphore, #tpu.memory_space<semaphore_mem>>
        %dma_start3A_78 = arith.constant 9480 : i32
        %dma_start3A_79 = arith.constant 0 : i32
        %dma_start3A_80 = tpu.memref_slice %arg12[%dma_start3A_78, %dma_start3A_79] : memref<10000x128xf32, #tpu.memory_space<vmem_shared>> -> memref<520x128xf32, #tpu.memory_space<vmem_shared>>
        %dma_start3A_81 = arith.constant 0 : i32
        %dma_start3A_82 = arith.constant 0 : i32
        %dma_start3A_83 = tpu.memref_slice %arg5[%dma_start3A_81, %dma_start3A_82] : memref<632x128xf32, #tpu.memory_space<hbm>> -> memref<520x128xf32, #tpu.memory_space<hbm>>
        tpu.enqueue_dma source(%dma_start3A_83 : memref<520x128xf32, #tpu.memory_space<hbm>>) target(%dma_start3A_80 : memref<520x128xf32, #tpu.memory_space<vmem_shared>>) target_semaphore(%run_scoped3A : memref<!tpu.dma_semaphore, #tpu.memory_space<semaphore_mem>>)
        %dma_wait3A_84 = arith.constant 9480 : i32
        %dma_wait3A_85 = arith.constant 0 : i32
        %dma_wait3A_86 = tpu.memref_slice %arg12[%dma_wait3A_84, %dma_wait3A_85] : memref<10000x128xf32, #tpu.memory_space<vmem_shared>> -> memref<520x128xf32, #tpu.memory_space<vmem_shared>>
        %dma_wait3A_87 = arith.constant 0 : i32
        %dma_wait3A_88 = arith.constant 0 : i32
        %dma_wait3A_89 = tpu.memref_slice %arg5[%dma_wait3A_87, %dma_wait3A_88] : memref<632x128xf32, #tpu.memory_space<hbm>> -> memref<520x128xf32, #tpu.memory_space<hbm>>
        tpu.wait_dma2 semaphore(%run_scoped3A : memref<!tpu.dma_semaphore, #tpu.memory_space<semaphore_mem>>) src(%dma_wait3A_89 : memref<520x128xf32, #tpu.memory_space<hbm>>) dst(%dma_wait3A_86 : memref<520x128xf32, #tpu.memory_space<vmem_shared>>)
        tpu.yield
      }) : () -> ()
    } else {
    }
    %barrier3A = arith.constant 0 : index
    tpu.barrier barrier_id(%barrier3A)
    %mul3A_7 = arith.constant 10000 : i32
    %mul3A_8 = arith.muli %add3A, %mul3A_7 : i32
    "tpu.region"() ({
      %run_scoped3A = tpu.sem_alloc : memref<!tpu.dma_semaphore, #tpu.memory_space<semaphore_mem>>
      %dma_start3A_78 = tpu.memref_slice %arg3[%mul3A_8] : memref<320000xi32, #tpu.memory_space<hbm>> -> memref<10000xi32, #tpu.memory_space<hbm>>
      %dma_start3A_79 = tpu.memref_slice %arg3[%mul3A_8] : memref<320000xi32, #tpu.memory_space<hbm>> -> memref<10000xi32, #tpu.memory_space<hbm>>
      tpu.enqueue_dma source(%dma_start3A_79 : memref<10000xi32, #tpu.memory_space<hbm>>) target(%arg7 : memref<10000xi32, #tpu.memory_space<vmem>>) target_semaphore(%run_scoped3A : memref<!tpu.dma_semaphore, #tpu.memory_space<semaphore_mem>>)
      %dma_wait3A_80 = tpu.memref_slice %arg3[%mul3A_8] : memref<320000xi32, #tpu.memory_space<hbm>> -> memref<10000xi32, #tpu.memory_space<hbm>>
      %dma_wait3A_81 = tpu.memref_slice %arg3[%mul3A_8] : memref<320000xi32, #tpu.memory_space<hbm>> -> memref<10000xi32, #tpu.memory_space<hbm>>
      tpu.wait_dma2 semaphore(%run_scoped3A : memref<!tpu.dma_semaphore, #tpu.memory_space<semaphore_mem>>) src(%dma_wait3A_81 : memref<10000xi32, #tpu.memory_space<hbm>>) dst(%arg7 : memref<10000xi32, #tpu.memory_space<vmem>>)
      tpu.yield
    }) : () -> ()
    "tpu.region"() ({
      %run_scoped3A = tpu.sem_alloc : memref<!tpu.dma_semaphore, #tpu.memory_space<semaphore_mem>>
      %dma_start3A_78 = tpu.memref_slice %arg4[%mul3A_8] : memref<320000xi32, #tpu.memory_space<hbm>> -> memref<10000xi32, #tpu.memory_space<hbm>>
      %dma_start3A_79 = tpu.memref_slice %arg4[%mul3A_8] : memref<320000xi32, #tpu.memory_space<hbm>> -> memref<10000xi32, #tpu.memory_space<hbm>>
      tpu.enqueue_dma source(%dma_start3A_79 : memref<10000xi32, #tpu.memory_space<hbm>>) target(%arg8 : memref<10000xi32, #tpu.memory_space<vmem>>) target_semaphore(%run_scoped3A : memref<!tpu.dma_semaphore, #tpu.memory_space<semaphore_mem>>)
      %dma_wait3A_80 = tpu.memref_slice %arg4[%mul3A_8] : memref<320000xi32, #tpu.memory_space<hbm>> -> memref<10000xi32, #tpu.memory_space<hbm>>
      %dma_wait3A_81 = tpu.memref_slice %arg4[%mul3A_8] : memref<320000xi32, #tpu.memory_space<hbm>> -> memref<10000xi32, #tpu.memory_space<hbm>>
      tpu.wait_dma2 semaphore(%run_scoped3A : memref<!tpu.dma_semaphore, #tpu.memory_space<semaphore_mem>>) src(%dma_wait3A_81 : memref<10000xi32, #tpu.memory_space<hbm>>) dst(%arg8 : memref<10000xi32, #tpu.memory_space<vmem>>)
      tpu.yield
    }) : () -> ()
    %dma_start3A = arith.constant 0 : i32
    %dma_start3A_9 = tpu.memref_slice %arg7[%dma_start3A] : memref<10000xi32, #tpu.memory_space<vmem>> -> memref<80xi32, #tpu.memory_space<vmem>>
    %dma_start3A_10 = arith.constant 0 : i32
    %dma_start3A_11 = arith.constant 0 : i32
    %dma_start3A_12 = tpu.memref_slice %arg2[%dma_start3A_10, %dma_start3A_11] : memref<10000x128xf32, #tpu.memory_space<hbm>> -> memref<10000x128xf32, #tpu.memory_space<hbm>>
    tpu.enqueue_indirect_dma source(%dma_start3A_12 : memref<10000x128xf32, #tpu.memory_space<hbm>>) target(%arg9 : memref<80x128xf32, #tpu.memory_space<vmem>>) offsets(%dma_start3A_9 : memref<80xi32, #tpu.memory_space<vmem>>) semaphore(%arg13 : memref<!tpu.dma_semaphore, #tpu.memory_space<semaphore_mem>>)
    %dma_start3A_13 = arith.constant 80 : i32
    %dma_start3A_14 = tpu.memref_slice %arg7[%dma_start3A_13] : memref<10000xi32, #tpu.memory_space<vmem>> -> memref<80xi32, #tpu.memory_space<vmem>>
    %dma_start3A_15 = arith.constant 0 : i32
    %dma_start3A_16 = arith.constant 0 : i32
    %dma_start3A_17 = tpu.memref_slice %arg2[%dma_start3A_15, %dma_start3A_16] : memref<10000x128xf32, #tpu.memory_space<hbm>> -> memref<10000x128xf32, #tpu.memory_space<hbm>>
    tpu.enqueue_indirect_dma source(%dma_start3A_17 : memref<10000x128xf32, #tpu.memory_space<hbm>>) target(%arg10 : memref<80x128xf32, #tpu.memory_space<vmem>>) offsets(%dma_start3A_14 : memref<80xi32, #tpu.memory_space<vmem>>) semaphore(%arg14 : memref<!tpu.dma_semaphore, #tpu.memory_space<semaphore_mem>>)
    %scan3A = arith.constant 0 : i32
    %scan3A_18 = arith.constant 41 : i32
    %scan3A_19 = arith.addi %scan3A, %scan3A_18 : i32
    %scan3A_20 = arith.constant 1 : i32
    scf.for %scan3A_78 = %scan3A to %scan3A_19 step %scan3A_20  : i32 {
      %mul3A_79 = arith.constant 3 : i32
      %mul3A_80 = arith.muli %mul3A_79, %scan3A_78 : i32
      %add3A_81 = arith.constant 0 : i32
      %add3A_82 = arith.addi %mul3A_80, %add3A_81 : i32
      %mul3A_83 = arith.constant 80 : i32
      %mul3A_84 = arith.muli %add3A_82, %mul3A_83 : i32
      %dma_wait3A_85 = tpu.memref_slice %arg7[%mul3A_84] : memref<10000xi32, #tpu.memory_space<vmem>> -> memref<80xi32, #tpu.memory_space<vmem>>
      %dma_wait3A_86 = arith.constant 0 : i32
      %dma_wait3A_87 = arith.constant 0 : i32
      %dma_wait3A_88 = tpu.memref_slice %arg2[%dma_wait3A_86, %dma_wait3A_87] : memref<10000x128xf32, #tpu.memory_space<hbm>> -> memref<10000x128xf32, #tpu.memory_space<hbm>>
      tpu.wait_indirect_dma semaphore(%arg13 : memref<!tpu.dma_semaphore, #tpu.memory_space<semaphore_mem>>) src(%dma_wait3A_88 : memref<10000x128xf32, #tpu.memory_space<hbm>>) dst(%arg9 : memref<80x128xf32, #tpu.memory_space<vmem>>)
      %mul3A_89 = arith.constant 80 : i32
      %mul3A_90 = arith.muli %add3A_82, %mul3A_89 : i32
      %dma_start3A_91 = tpu.memref_slice %arg8[%mul3A_90] : memref<10000xi32, #tpu.memory_space<vmem>> -> memref<80xi32, #tpu.memory_space<vmem>>
      %dma_start3A_92 = arith.constant 0 : i32
      %dma_start3A_93 = arith.constant 0 : i32
      %dma_start3A_94 = tpu.memref_slice %arg12[%dma_start3A_92, %dma_start3A_93] : memref<10000x128xf32, #tpu.memory_space<vmem_shared>> -> memref<10000x128xf32, #tpu.memory_space<vmem_shared>>
      tpu.enqueue_indirect_dma source(%arg9 : memref<80x128xf32, #tpu.memory_space<vmem>>) target(%dma_start3A_94 : memref<10000x128xf32, #tpu.memory_space<vmem_shared>>) offsets(%dma_start3A_91 : memref<80xi32, #tpu.memory_space<vmem>>) semaphore(%arg16 : memref<!tpu.dma_semaphore, #tpu.memory_space<semaphore_mem>>) {add = true}
      %add3A_95 = arith.constant 2 : i32
      %add3A_96 = arith.addi %add3A_82, %add3A_95 : i32
      %lt3A_97 = arith.constant 125 : i32
      %lt3A_98 = arith.cmpi slt, %add3A_96, %lt3A_97 : i32
      %ge3A = arith.constant 1 : i32
      %ge3A_99 = arith.cmpi sge, %add3A_82, %ge3A : i32
      %and3A_100 = arith.andi %lt3A_98, %ge3A_99 : i1
      %convert_element_type3A_101 = arith.extui %and3A_100 : i1 to i32
      %cond3A_102 = arith.constant 0 : i32
      %cond3A_103 = arith.cmpi ne, %convert_element_type3A_101, %cond3A_102 : i32
      scf.if %cond3A_103 {
        %dma_wait3A_177 = arith.constant 0 : i32
        %dma_wait3A_178 = tpu.memref_slice %arg8[%dma_wait3A_177] : memref<10000xi32, #tpu.memory_space<vmem>> -> memref<80xi32, #tpu.memory_space<vmem>>
        %dma_wait3A_179 = arith.constant 0 : i32
        %dma_wait3A_180 = arith.constant 0 : i32
        %dma_wait3A_181 = tpu.memref_slice %arg12[%dma_wait3A_179, %dma_wait3A_180] : memref<10000x128xf32, #tpu.memory_space<vmem_shared>> -> memref<10000x128xf32, #tpu.memory_space<vmem_shared>>
        tpu.wait_indirect_dma semaphore(%arg18 : memref<!tpu.dma_semaphore, #tpu.memory_space<semaphore_mem>>) src(%arg11 : memref<80x128xf32, #tpu.memory_space<vmem>>) dst(%dma_wait3A_181 : memref<10000x128xf32, #tpu.memory_space<vmem_shared>>)
      } else {
      }
      %add3A_104 = arith.constant 2 : i32
      %add3A_105 = arith.addi %add3A_82, %add3A_104 : i32
      %lt3A_106 = arith.constant 125 : i32
      %lt3A_107 = arith.cmpi slt, %add3A_105, %lt3A_106 : i32
      %convert_element_type3A_108 = arith.extui %lt3A_107 : i1 to i32
      %cond3A_109 = arith.constant 0 : i32
      %cond3A_110 = arith.cmpi ne, %convert_element_type3A_108, %cond3A_109 : i32
      scf.if %cond3A_110 {
        %add3A_177 = arith.constant 2 : i32
        %add3A_178 = arith.addi %add3A_82, %add3A_177 : i32
        %mul3A_179 = arith.constant 80 : i32
        %mul3A_180 = arith.muli %add3A_178, %mul3A_179 : i32
        %dma_start3A_181 = tpu.memref_slice %arg7[%mul3A_180] : memref<10000xi32, #tpu.memory_space<vmem>> -> memref<80xi32, #tpu.memory_space<vmem>>
        %dma_start3A_182 = arith.constant 0 : i32
        %dma_start3A_183 = arith.constant 0 : i32
        %dma_start3A_184 = tpu.memref_slice %arg2[%dma_start3A_182, %dma_start3A_183] : memref<10000x128xf32, #tpu.memory_space<hbm>> -> memref<10000x128xf32, #tpu.memory_space<hbm>>
        tpu.enqueue_indirect_dma source(%dma_start3A_184 : memref<10000x128xf32, #tpu.memory_space<hbm>>) target(%arg11 : memref<80x128xf32, #tpu.memory_space<vmem>>) offsets(%dma_start3A_181 : memref<80xi32, #tpu.memory_space<vmem>>) semaphore(%arg15 : memref<!tpu.dma_semaphore, #tpu.memory_space<semaphore_mem>>)
      } else {
      }
      %mul3A_111 = arith.constant 3 : i32
      %mul3A_112 = arith.muli %mul3A_111, %scan3A_78 : i32
      %add3A_113 = arith.constant 1 : i32
      %add3A_114 = arith.addi %mul3A_112, %add3A_113 : i32
      %mul3A_115 = arith.constant 80 : i32
      %mul3A_116 = arith.muli %add3A_114, %mul3A_115 : i32
      %dma_wait3A_117 = tpu.memref_slice %arg7[%mul3A_116] : memref<10000xi32, #tpu.memory_space<vmem>> -> memref<80xi32, #tpu.memory_space<vmem>>
      %dma_wait3A_118 = arith.constant 0 : i32
      %dma_wait3A_119 = arith.constant 0 : i32
      %dma_wait3A_120 = tpu.memref_slice %arg2[%dma_wait3A_118, %dma_wait3A_119] : memref<10000x128xf32, #tpu.memory_space<hbm>> -> memref<10000x128xf32, #tpu.memory_space<hbm>>
      tpu.wait_indirect_dma semaphore(%arg14 : memref<!tpu.dma_semaphore, #tpu.memory_space<semaphore_mem>>) src(%dma_wait3A_120 : memref<10000x128xf32, #tpu.memory_space<hbm>>) dst(%arg10 : memref<80x128xf32, #tpu.memory_space<vmem>>)
      %mul3A_121 = arith.constant 80 : i32
      %mul3A_122 = arith.muli %add3A_114, %mul3A_121 : i32
      %dma_start3A_123 = tpu.memref_slice %arg8[%mul3A_122] : memref<10000xi32, #tpu.memory_space<vmem>> -> memref<80xi32, #tpu.memory_space<vmem>>
      %dma_start3A_124 = arith.constant 0 : i32
      %dma_start3A_125 = arith.constant 0 : i32
      %dma_start3A_126 = tpu.memref_slice %arg12[%dma_start3A_124, %dma_start3A_125] : memref<10000x128xf32, #tpu.memory_space<vmem_shared>> -> memref<10000x128xf32, #tpu.memory_space<vmem_shared>>
      tpu.enqueue_indirect_dma source(%arg10 : memref<80x128xf32, #tpu.memory_space<vmem>>) target(%dma_start3A_126 : memref<10000x128xf32, #tpu.memory_space<vmem_shared>>) offsets(%dma_start3A_123 : memref<80xi32, #tpu.memory_space<vmem>>) semaphore(%arg17 : memref<!tpu.dma_semaphore, #tpu.memory_space<semaphore_mem>>) {add = true}
      %add3A_127 = arith.constant 2 : i32
      %add3A_128 = arith.addi %add3A_114, %add3A_127 : i32
      %lt3A_129 = arith.constant 125 : i32
      %lt3A_130 = arith.cmpi slt, %add3A_128, %lt3A_129 : i32
      %ge3A_131 = arith.constant 1 : i32
      %ge3A_132 = arith.cmpi sge, %add3A_114, %ge3A_131 : i32
      %and3A_133 = arith.andi %lt3A_130, %ge3A_132 : i1
      %convert_element_type3A_134 = arith.extui %and3A_133 : i1 to i32
      %cond3A_135 = arith.constant 0 : i32
      %cond3A_136 = arith.cmpi ne, %convert_element_type3A_134, %cond3A_135 : i32
      scf.if %cond3A_136 {
        %dma_wait3A_177 = arith.constant 0 : i32
        %dma_wait3A_178 = tpu.memref_slice %arg8[%dma_wait3A_177] : memref<10000xi32, #tpu.memory_space<vmem>> -> memref<80xi32, #tpu.memory_space<vmem>>
        %dma_wait3A_179 = arith.constant 0 : i32
        %dma_wait3A_180 = arith.constant 0 : i32
        %dma_wait3A_181 = tpu.memref_slice %arg12[%dma_wait3A_179, %dma_wait3A_180] : memref<10000x128xf32, #tpu.memory_space<vmem_shared>> -> memref<10000x128xf32, #tpu.memory_space<vmem_shared>>
        tpu.wait_indirect_dma semaphore(%arg16 : memref<!tpu.dma_semaphore, #tpu.memory_space<semaphore_mem>>) src(%arg9 : memref<80x128xf32, #tpu.memory_space<vmem>>) dst(%dma_wait3A_181 : memref<10000x128xf32, #tpu.memory_space<vmem_shared>>)
      } else {
      }
      %add3A_137 = arith.constant 2 : i32
      %add3A_138 = arith.addi %add3A_114, %add3A_137 : i32
      %lt3A_139 = arith.constant 125 : i32
      %lt3A_140 = arith.cmpi slt, %add3A_138, %lt3A_139 : i32
      %convert_element_type3A_141 = arith.extui %lt3A_140 : i1 to i32
      %cond3A_142 = arith.constant 0 : i32
      %cond3A_143 = arith.cmpi ne, %convert_element_type3A_141, %cond3A_142 : i32
      scf.if %cond3A_143 {
        %add3A_177 = arith.constant 2 : i32
        %add3A_178 = arith.addi %add3A_114, %add3A_177 : i32
        %mul3A_179 = arith.constant 80 : i32
        %mul3A_180 = arith.muli %add3A_178, %mul3A_179 : i32
        %dma_start3A_181 = tpu.memref_slice %arg7[%mul3A_180] : memref<10000xi32, #tpu.memory_space<vmem>> -> memref<80xi32, #tpu.memory_space<vmem>>
        %dma_start3A_182 = arith.constant 0 : i32
        %dma_start3A_183 = arith.constant 0 : i32
        %dma_start3A_184 = tpu.memref_slice %arg2[%dma_start3A_182, %dma_start3A_183] : memref<10000x128xf32, #tpu.memory_space<hbm>> -> memref<10000x128xf32, #tpu.memory_space<hbm>>
        tpu.enqueue_indirect_dma source(%dma_start3A_184 : memref<10000x128xf32, #tpu.memory_space<hbm>>) target(%arg9 : memref<80x128xf32, #tpu.memory_space<vmem>>) offsets(%dma_start3A_181 : memref<80xi32, #tpu.memory_space<vmem>>) semaphore(%arg13 : memref<!tpu.dma_semaphore, #tpu.memory_space<semaphore_mem>>)
      } else {
      }
      %mul3A_144 = arith.constant 3 : i32
      %mul3A_145 = arith.muli %mul3A_144, %scan3A_78 : i32
      %add3A_146 = arith.constant 2 : i32
      %add3A_147 = arith.addi %mul3A_145, %add3A_146 : i32
      %mul3A_148 = arith.constant 80 : i32
      %mul3A_149 = arith.muli %add3A_147, %mul3A_148 : i32
      %dma_wait3A_150 = tpu.memref_slice %arg7[%mul3A_149] : memref<10000xi32, #tpu.memory_space<vmem>> -> memref<80xi32, #tpu.memory_space<vmem>>
      %dma_wait3A_151 = arith.constant 0 : i32
      %dma_wait3A_152 = arith.constant 0 : i32
      %dma_wait3A_153 = tpu.memref_slice %arg2[%dma_wait3A_151, %dma_wait3A_152] : memref<10000x128xf32, #tpu.memory_space<hbm>> -> memref<10000x128xf32, #tpu.memory_space<hbm>>
      tpu.wait_indirect_dma semaphore(%arg15 : memref<!tpu.dma_semaphore, #tpu.memory_space<semaphore_mem>>) src(%dma_wait3A_153 : memref<10000x128xf32, #tpu.memory_space<hbm>>) dst(%arg11 : memref<80x128xf32, #tpu.memory_space<vmem>>)
      %mul3A_154 = arith.constant 80 : i32
      %mul3A_155 = arith.muli %add3A_147, %mul3A_154 : i32
      %dma_start3A_156 = tpu.memref_slice %arg8[%mul3A_155] : memref<10000xi32, #tpu.memory_space<vmem>> -> memref<80xi32, #tpu.memory_space<vmem>>
      %dma_start3A_157 = arith.constant 0 : i32
      %dma_start3A_158 = arith.constant 0 : i32
      %dma_start3A_159 = tpu.memref_slice %arg12[%dma_start3A_157, %dma_start3A_158] : memref<10000x128xf32, #tpu.memory_space<vmem_shared>> -> memref<10000x128xf32, #tpu.memory_space<vmem_shared>>
      tpu.enqueue_indirect_dma source(%arg11 : memref<80x128xf32, #tpu.memory_space<vmem>>) target(%dma_start3A_159 : memref<10000x128xf32, #tpu.memory_space<vmem_shared>>) offsets(%dma_start3A_156 : memref<80xi32, #tpu.memory_space<vmem>>) semaphore(%arg18 : memref<!tpu.dma_semaphore, #tpu.memory_space<semaphore_mem>>) {add = true}
      %add3A_160 = arith.constant 2 : i32
      %add3A_161 = arith.addi %add3A_147, %add3A_160 : i32
      %lt3A_162 = arith.constant 125 : i32
      %lt3A_163 = arith.cmpi slt, %add3A_161, %lt3A_162 : i32
      %ge3A_164 = arith.constant 1 : i32
      %ge3A_165 = arith.cmpi sge, %add3A_147, %ge3A_164 : i32
      %and3A_166 = arith.andi %lt3A_163, %ge3A_165 : i1
      %convert_element_type3A_167 = arith.extui %and3A_166 : i1 to i32
      %cond3A_168 = arith.constant 0 : i32
      %cond3A_169 = arith.cmpi ne, %convert_element_type3A_167, %cond3A_168 : i32
      scf.if %cond3A_169 {
        %dma_wait3A_177 = arith.constant 0 : i32
        %dma_wait3A_178 = tpu.memref_slice %arg8[%dma_wait3A_177] : memref<10000xi32, #tpu.memory_space<vmem>> -> memref<80xi32, #tpu.memory_space<vmem>>
        %dma_wait3A_179 = arith.constant 0 : i32
        %dma_wait3A_180 = arith.constant 0 : i32
        %dma_wait3A_181 = tpu.memref_slice %arg12[%dma_wait3A_179, %dma_wait3A_180] : memref<10000x128xf32, #tpu.memory_space<vmem_shared>> -> memref<10000x128xf32, #tpu.memory_space<vmem_shared>>
        tpu.wait_indirect_dma semaphore(%arg17 : memref<!tpu.dma_semaphore, #tpu.memory_space<semaphore_mem>>) src(%arg10 : memref<80x128xf32, #tpu.memory_space<vmem>>) dst(%dma_wait3A_181 : memref<10000x128xf32, #tpu.memory_space<vmem_shared>>)
      } else {
      }
      %add3A_170 = arith.constant 2 : i32
      %add3A_171 = arith.addi %add3A_147, %add3A_170 : i32
      %lt3A_172 = arith.constant 125 : i32
      %lt3A_173 = arith.cmpi slt, %add3A_171, %lt3A_172 : i32
      %convert_element_type3A_174 = arith.extui %lt3A_173 : i1 to i32
      %cond3A_175 = arith.constant 0 : i32
      %cond3A_176 = arith.cmpi ne, %convert_element_type3A_174, %cond3A_175 : i32
      scf.if %cond3A_176 {
        %add3A_177 = arith.constant 2 : i32
        %add3A_178 = arith.addi %add3A_147, %add3A_177 : i32
        %mul3A_179 = arith.constant 80 : i32
        %mul3A_180 = arith.muli %add3A_178, %mul3A_179 : i32
        %dma_start3A_181 = tpu.memref_slice %arg7[%mul3A_180] : memref<10000xi32, #tpu.memory_space<vmem>> -> memref<80xi32, #tpu.memory_space<vmem>>
        %dma_start3A_182 = arith.constant 0 : i32
        %dma_start3A_183 = arith.constant 0 : i32
        %dma_start3A_184 = tpu.memref_slice %arg2[%dma_start3A_182, %dma_start3A_183] : memref<10000x128xf32, #tpu.memory_space<hbm>> -> memref<10000x128xf32, #tpu.memory_space<hbm>>
        tpu.enqueue_indirect_dma source(%dma_start3A_184 : memref<10000x128xf32, #tpu.memory_space<hbm>>) target(%arg10 : memref<80x128xf32, #tpu.memory_space<vmem>>) offsets(%dma_start3A_181 : memref<80xi32, #tpu.memory_space<vmem>>) semaphore(%arg14 : memref<!tpu.dma_semaphore, #tpu.memory_space<semaphore_mem>>)
      } else {
      }
    }
    %scan3A_21 = arith.constant 41 : i32
    %dma_wait3A = arith.constant 9840 : i32
    %dma_wait3A_22 = tpu.memref_slice %arg7[%dma_wait3A] : memref<10000xi32, #tpu.memory_space<vmem>> -> memref<80xi32, #tpu.memory_space<vmem>>
    %dma_wait3A_23 = arith.constant 0 : i32
    %dma_wait3A_24 = arith.constant 0 : i32
    %dma_wait3A_25 = tpu.memref_slice %arg2[%dma_wait3A_23, %dma_wait3A_24] : memref<10000x128xf32, #tpu.memory_space<hbm>> -> memref<10000x128xf32, #tpu.memory_space<hbm>>
    tpu.wait_indirect_dma semaphore(%arg13 : memref<!tpu.dma_semaphore, #tpu.memory_space<semaphore_mem>>) src(%dma_wait3A_25 : memref<10000x128xf32, #tpu.memory_space<hbm>>) dst(%arg9 : memref<80x128xf32, #tpu.memory_space<vmem>>)
    %dma_start3A_26 = arith.constant 9840 : i32
    %dma_start3A_27 = tpu.memref_slice %arg8[%dma_start3A_26] : memref<10000xi32, #tpu.memory_space<vmem>> -> memref<80xi32, #tpu.memory_space<vmem>>
    %dma_start3A_28 = arith.constant 0 : i32
    %dma_start3A_29 = arith.constant 0 : i32
    %dma_start3A_30 = tpu.memref_slice %arg12[%dma_start3A_28, %dma_start3A_29] : memref<10000x128xf32, #tpu.memory_space<vmem_shared>> -> memref<10000x128xf32, #tpu.memory_space<vmem_shared>>
    tpu.enqueue_indirect_dma source(%arg9 : memref<80x128xf32, #tpu.memory_space<vmem>>) target(%dma_start3A_30 : memref<10000x128xf32, #tpu.memory_space<vmem_shared>>) offsets(%dma_start3A_27 : memref<80xi32, #tpu.memory_space<vmem>>) semaphore(%arg16 : memref<!tpu.dma_semaphore, #tpu.memory_space<semaphore_mem>>) {add = true}
    %and3A = arith.constant false
    %and3A_31 = arith.constant true
    %and3A_32 = arith.andi %and3A, %and3A_31 : i1
    %convert_element_type3A_33 = arith.extui %and3A_32 : i1 to i32
    %cond3A_34 = arith.constant 0 : i32
    %cond3A_35 = arith.cmpi ne, %convert_element_type3A_33, %cond3A_34 : i32
    scf.if %cond3A_35 {
      %dma_wait3A_78 = arith.constant 0 : i32
      %dma_wait3A_79 = tpu.memref_slice %arg8[%dma_wait3A_78] : memref<10000xi32, #tpu.memory_space<vmem>> -> memref<80xi32, #tpu.memory_space<vmem>>
      %dma_wait3A_80 = arith.constant 0 : i32
      %dma_wait3A_81 = arith.constant 0 : i32
      %dma_wait3A_82 = tpu.memref_slice %arg12[%dma_wait3A_80, %dma_wait3A_81] : memref<10000x128xf32, #tpu.memory_space<vmem_shared>> -> memref<10000x128xf32, #tpu.memory_space<vmem_shared>>
      tpu.wait_indirect_dma semaphore(%arg18 : memref<!tpu.dma_semaphore, #tpu.memory_space<semaphore_mem>>) src(%arg11 : memref<80x128xf32, #tpu.memory_space<vmem>>) dst(%dma_wait3A_82 : memref<10000x128xf32, #tpu.memory_space<vmem_shared>>)
    } else {
    }
    %dma_wait3A_36 = arith.constant 9920 : i32
    %dma_wait3A_37 = tpu.memref_slice %arg7[%dma_wait3A_36] : memref<10000xi32, #tpu.memory_space<vmem>> -> memref<80xi32, #tpu.memory_space<vmem>>
    %dma_wait3A_38 = arith.constant 0 : i32
    %dma_wait3A_39 = arith.constant 0 : i32
    %dma_wait3A_40 = tpu.memref_slice %arg2[%dma_wait3A_38, %dma_wait3A_39] : memref<10000x128xf32, #tpu.memory_space<hbm>> -> memref<10000x128xf32, #tpu.memory_space<hbm>>
    tpu.wait_indirect_dma semaphore(%arg14 : memref<!tpu.dma_semaphore, #tpu.memory_space<semaphore_mem>>) src(%dma_wait3A_40 : memref<10000x128xf32, #tpu.memory_space<hbm>>) dst(%arg10 : memref<80x128xf32, #tpu.memory_space<vmem>>)
    %dma_start3A_41 = arith.constant 9920 : i32
    %dma_start3A_42 = tpu.memref_slice %arg8[%dma_start3A_41] : memref<10000xi32, #tpu.memory_space<vmem>> -> memref<80xi32, #tpu.memory_space<vmem>>
    %dma_start3A_43 = arith.constant 0 : i32
    %dma_start3A_44 = arith.constant 0 : i32
    %dma_start3A_45 = tpu.memref_slice %arg12[%dma_start3A_43, %dma_start3A_44] : memref<10000x128xf32, #tpu.memory_space<vmem_shared>> -> memref<10000x128xf32, #tpu.memory_space<vmem_shared>>
    tpu.enqueue_indirect_dma source(%arg10 : memref<80x128xf32, #tpu.memory_space<vmem>>) target(%dma_start3A_45 : memref<10000x128xf32, #tpu.memory_space<vmem_shared>>) offsets(%dma_start3A_42 : memref<80xi32, #tpu.memory_space<vmem>>) semaphore(%arg17 : memref<!tpu.dma_semaphore, #tpu.memory_space<semaphore_mem>>) {add = true}
    %and3A_46 = arith.constant false
    %and3A_47 = arith.constant true
    %and3A_48 = arith.andi %and3A_46, %and3A_47 : i1
    %convert_element_type3A_49 = arith.extui %and3A_48 : i1 to i32
    %cond3A_50 = arith.constant 0 : i32
    %cond3A_51 = arith.cmpi ne, %convert_element_type3A_49, %cond3A_50 : i32
    scf.if %cond3A_51 {
      %dma_wait3A_78 = arith.constant 0 : i32
      %dma_wait3A_79 = tpu.memref_slice %arg8[%dma_wait3A_78] : memref<10000xi32, #tpu.memory_space<vmem>> -> memref<80xi32, #tpu.memory_space<vmem>>
      %dma_wait3A_80 = arith.constant 0 : i32
      %dma_wait3A_81 = arith.constant 0 : i32
      %dma_wait3A_82 = tpu.memref_slice %arg12[%dma_wait3A_80, %dma_wait3A_81] : memref<10000x128xf32, #tpu.memory_space<vmem_shared>> -> memref<10000x128xf32, #tpu.memory_space<vmem_shared>>
      tpu.wait_indirect_dma semaphore(%arg16 : memref<!tpu.dma_semaphore, #tpu.memory_space<semaphore_mem>>) src(%arg9 : memref<80x128xf32, #tpu.memory_space<vmem>>) dst(%dma_wait3A_82 : memref<10000x128xf32, #tpu.memory_space<vmem_shared>>)
    } else {
    }
    %dma_wait3A_52 = arith.constant 0 : i32
    %dma_wait3A_53 = tpu.memref_slice %arg8[%dma_wait3A_52] : memref<10000xi32, #tpu.memory_space<vmem>> -> memref<80xi32, #tpu.memory_space<vmem>>
    %dma_wait3A_54 = arith.constant 0 : i32
    %dma_wait3A_55 = arith.constant 0 : i32
    %dma_wait3A_56 = tpu.memref_slice %arg12[%dma_wait3A_54, %dma_wait3A_55] : memref<10000x128xf32, #tpu.memory_space<vmem_shared>> -> memref<10000x128xf32, #tpu.memory_space<vmem_shared>>
    tpu.wait_indirect_dma semaphore(%arg18 : memref<!tpu.dma_semaphore, #tpu.memory_space<semaphore_mem>>) src(%arg11 : memref<80x128xf32, #tpu.memory_space<vmem>>) dst(%dma_wait3A_56 : memref<10000x128xf32, #tpu.memory_space<vmem_shared>>)
    %dma_wait3A_57 = arith.constant 0 : i32
    %dma_wait3A_58 = tpu.memref_slice %arg8[%dma_wait3A_57] : memref<10000xi32, #tpu.memory_space<vmem>> -> memref<80xi32, #tpu.memory_space<vmem>>
    %dma_wait3A_59 = arith.constant 0 : i32
    %dma_wait3A_60 = arith.constant 0 : i32
    %dma_wait3A_61 = tpu.memref_slice %arg12[%dma_wait3A_59, %dma_wait3A_60] : memref<10000x128xf32, #tpu.memory_space<vmem_shared>> -> memref<10000x128xf32, #tpu.memory_space<vmem_shared>>
    tpu.wait_indirect_dma semaphore(%arg16 : memref<!tpu.dma_semaphore, #tpu.memory_space<semaphore_mem>>) src(%arg9 : memref<80x128xf32, #tpu.memory_space<vmem>>) dst(%dma_wait3A_61 : memref<10000x128xf32, #tpu.memory_space<vmem_shared>>)
    %dma_wait3A_62 = arith.constant 0 : i32
    %dma_wait3A_63 = tpu.memref_slice %arg8[%dma_wait3A_62] : memref<10000xi32, #tpu.memory_space<vmem>> -> memref<80xi32, #tpu.memory_space<vmem>>
    %dma_wait3A_64 = arith.constant 0 : i32
    %dma_wait3A_65 = arith.constant 0 : i32
    %dma_wait3A_66 = tpu.memref_slice %arg12[%dma_wait3A_64, %dma_wait3A_65] : memref<10000x128xf32, #tpu.memory_space<vmem_shared>> -> memref<10000x128xf32, #tpu.memory_space<vmem_shared>>
    tpu.wait_indirect_dma semaphore(%arg17 : memref<!tpu.dma_semaphore, #tpu.memory_space<semaphore_mem>>) src(%arg10 : memref<80x128xf32, #tpu.memory_space<vmem>>) dst(%dma_wait3A_66 : memref<10000x128xf32, #tpu.memory_space<vmem_shared>>)
    %barrier3A_67 = arith.constant 0 : index
    tpu.barrier barrier_id(%barrier3A_67)
    %lt3A_68 = arith.constant 15 : i32
    %lt3A_69 = arith.cmpi slt, %arg1, %lt3A_68 : i32
    %convert_element_type3A_70 = arith.extui %lt3A_69 : i1 to i32
    %cond3A_71 = arith.constant 0 : i32
    %cond3A_72 = arith.cmpi ne, %convert_element_type3A_70, %cond3A_71 : i32
    scf.if %cond3A_72 {
      %mul3A_78 = arith.constant 632 : i32
      %mul3A_79 = arith.muli %arg1, %mul3A_78 : i32
      %mul3A_80 = arith.constant 10000 : i32
      %mul3A_81 = arith.muli %arg0, %mul3A_80 : i32
      %mul3A_82 = arith.constant 632 : i32
      %mul3A_83 = arith.muli %arg1, %mul3A_82 : i32
      %add3A_84 = arith.addi %mul3A_81, %mul3A_83 : i32
      "tpu.region"() ({
        %run_scoped3A = tpu.sem_alloc : memref<!tpu.dma_semaphore, #tpu.memory_space<semaphore_mem>>
        %dma_start3A_85 = arith.constant 0 : i32
        %dma_start3A_86 = tpu.memref_slice %arg6[%add3A_84, %dma_start3A_85] : memref<20000x128xf32, #tpu.memory_space<hbm>> -> memref<632x128xf32, #tpu.memory_space<hbm>>
        %dma_start3A_87 = arith.constant 0 : i32
        %dma_start3A_88 = tpu.memref_slice %arg12[%mul3A_79, %dma_start3A_87] : memref<10000x128xf32, #tpu.memory_space<vmem_shared>> -> memref<632x128xf32, #tpu.memory_space<vmem_shared>>
        tpu.enqueue_dma source(%dma_start3A_88 : memref<632x128xf32, #tpu.memory_space<vmem_shared>>) target(%dma_start3A_86 : memref<632x128xf32, #tpu.memory_space<hbm>>) target_semaphore(%run_scoped3A : memref<!tpu.dma_semaphore, #tpu.memory_space<semaphore_mem>>)
        %dma_wait3A_89 = arith.constant 0 : i32
        %dma_wait3A_90 = tpu.memref_slice %arg6[%add3A_84, %dma_wait3A_89] : memref<20000x128xf32, #tpu.memory_space<hbm>> -> memref<632x128xf32, #tpu.memory_space<hbm>>
        %dma_wait3A_91 = arith.constant 0 : i32
        %dma_wait3A_92 = tpu.memref_slice %arg12[%mul3A_79, %dma_wait3A_91] : memref<10000x128xf32, #tpu.memory_space<vmem_shared>> -> memref<632x128xf32, #tpu.memory_space<vmem_shared>>
        tpu.wait_dma2 semaphore(%run_scoped3A : memref<!tpu.dma_semaphore, #tpu.memory_space<semaphore_mem>>) src(%dma_wait3A_92 : memref<632x128xf32, #tpu.memory_space<vmem_shared>>) dst(%dma_wait3A_90 : memref<632x128xf32, #tpu.memory_space<hbm>>)
        tpu.yield
      }) : () -> ()
    } else {
    }
    %eq3A_73 = arith.constant 15 : i32
    %eq3A_74 = arith.cmpi eq, %arg1, %eq3A_73 : i32
    %convert_element_type3A_75 = arith.extui %eq3A_74 : i1 to i32
    %cond3A_76 = arith.constant 0 : i32
    %cond3A_77 = arith.cmpi ne, %convert_element_type3A_75, %cond3A_76 : i32
    scf.if %cond3A_77 {
      %mul3A_78 = arith.constant 10000 : i32
      %mul3A_79 = arith.muli %arg0, %mul3A_78 : i32
      %add3A_80 = arith.constant 9480 : i32
      %add3A_81 = arith.addi %mul3A_79, %add3A_80 : i32
      "tpu.region"() ({
        %run_scoped3A = tpu.sem_alloc : memref<!tpu.dma_semaphore, #tpu.memory_space<semaphore_mem>>
        %dma_start3A_82 = arith.constant 0 : i32
        %dma_start3A_83 = tpu.memref_slice %arg6[%add3A_81, %dma_start3A_82] : memref<20000x128xf32, #tpu.memory_space<hbm>> -> memref<520x128xf32, #tpu.memory_space<hbm>>
        %dma_start3A_84 = arith.constant 9480 : i32
        %dma_start3A_85 = arith.constant 0 : i32
        %dma_start3A_86 = tpu.memref_slice %arg12[%dma_start3A_84, %dma_start3A_85] : memref<10000x128xf32, #tpu.memory_space<vmem_shared>> -> memref<520x128xf32, #tpu.memory_space<vmem_shared>>
        tpu.enqueue_dma source(%dma_start3A_86 : memref<520x128xf32, #tpu.memory_space<vmem_shared>>) target(%dma_start3A_83 : memref<520x128xf32, #tpu.memory_space<hbm>>) target_semaphore(%run_scoped3A : memref<!tpu.dma_semaphore, #tpu.memory_space<semaphore_mem>>)
        %dma_wait3A_87 = arith.constant 0 : i32
        %dma_wait3A_88 = tpu.memref_slice %arg6[%add3A_81, %dma_wait3A_87] : memref<20000x128xf32, #tpu.memory_space<hbm>> -> memref<520x128xf32, #tpu.memory_space<hbm>>
        %dma_wait3A_89 = arith.constant 9480 : i32
        %dma_wait3A_90 = arith.constant 0 : i32
        %dma_wait3A_91 = tpu.memref_slice %arg12[%dma_wait3A_89, %dma_wait3A_90] : memref<10000x128xf32, #tpu.memory_space<vmem_shared>> -> memref<520x128xf32, #tpu.memory_space<vmem_shared>>
        tpu.wait_dma2 semaphore(%run_scoped3A : memref<!tpu.dma_semaphore, #tpu.memory_space<semaphore_mem>>) src(%dma_wait3A_91 : memref<520x128xf32, #tpu.memory_space<vmem_shared>>) dst(%dma_wait3A_88 : memref<520x128xf32, #tpu.memory_space<hbm>>)
        tpu.yield
      }) : () -> ()
    } else {
    }
    return
  }
}

module attributes {stable_mosaic.version = 14 : i64} {
  func.func @_linear_body(%arg0: i32, %arg1: memref<2000x128xf32, #tpu.memory_space<vmem>>, %arg2: memref<128x128xf32, #tpu.memory_space<vmem>>, %arg3: memref<2000x32xf32, #tpu.memory_space<vmem>>, %arg4: memref<2000x128xf32, #tpu.memory_space<vmem>>, %arg5: memref<2000x1xf32, #tpu.memory_space<vmem>>) attributes {dimension_semantics = [#tpu.dimension_semantics<arbitrary>], iteration_bounds = array<i64: 5>, scalar_prefetch = 0 : i64, scratch_operands = 0 : i64, tpu.core_type = #tpu.core_type<tc>, window_params = [{transform_indices = @transform_0, window_bounds = array<i64: 2000, 128>}, {pipeline_mode = #tpu.pipeline_mode<synchronous>, transform_indices = @transform_1, window_bounds = array<i64: 128, 128>}, {transform_indices = @transform_2, window_bounds = array<i64: 2000, 32>}, {transform_indices = @transform_3, window_bounds = array<i64: 2000, 128>}, {transform_indices = @transform_4, window_bounds = array<i64: 2000, 1>}]} {
    %get3A = arith.constant 0 : index
    %get3A_0 = arith.constant 0 : index
    %get3A_1 = vector.load %arg3[%get3A, %get3A_0] : memref<2000x32xf32, #tpu.memory_space<vmem>>, vector<2000x32xf32>
    %reduce_sum3A = arith.constant dense<0.000000e+00> : vector<2000xf32>
    %reduce_sum3A_2 = vector.multi_reduction <add>, %get3A_1, %reduce_sum3A [1] : vector<2000x32xf32> to vector<2000xf32>
    %broadcast_in_dim3A = vector.shape_cast %reduce_sum3A_2 : vector<2000xf32> to vector<2000x1xf32>
    %add3A = arith.constant 1.000000e+00 : f32
    %add3A_3 = vector.broadcast %add3A : f32 to vector<2000x1xf32>
    %add3A_4 = arith.addf %broadcast_in_dim3A, %add3A_3 : vector<2000x1xf32>
    %rsqrt3A = math.rsqrt %add3A_4 : vector<2000x1xf32>
    %get3A_5 = arith.constant 0 : index
    %get3A_6 = arith.constant 0 : index
    %get3A_7 = vector.load %arg1[%get3A_5, %get3A_6] : memref<2000x128xf32, #tpu.memory_space<vmem>>, vector<2000x128xf32>
    %get3A_8 = arith.constant 0 : index
    %get3A_9 = arith.constant 0 : index
    %get3A_10 = vector.load %arg2[%get3A_8, %get3A_9] : memref<128x128xf32, #tpu.memory_space<vmem>>, vector<128x128xf32>
    %dot_general3A = arith.constant dense<0.000000e+00> : vector<2000x128xf32>
    %dot_general3A_11 = tpu.matmul %get3A_7, %get3A_10, %dot_general3A {dimension_numbers = #tpu.dot_dimension_numbers<[1], [0], [0], [1], [0, 0, 1, 1], [], []>, transpose_lhs_hint = false} : vector<2000x128xf32>, vector<128x128xf32>, vector<2000x128xf32> -> vector<2000x128xf32>
    %mul3A = vector.broadcast %rsqrt3A : vector<2000x1xf32> to vector<2000x128xf32>
    %mul3A_12 = arith.mulf %dot_general3A_11, %mul3A : vector<2000x128xf32>
    %swap3A = arith.constant 0 : index
    %swap3A_13 = arith.constant 0 : index
    %swap3A_14 = vector.load %arg4[%swap3A, %swap3A_13] : memref<2000x128xf32, #tpu.memory_space<vmem>>, vector<2000x128xf32>
    tpu.vector_store %arg4[%swap3A, %swap3A_13], %mul3A_12 {strides = array<i32>} : memref<2000x128xf32, #tpu.memory_space<vmem>>, vector<2000x128xf32>,
    %swap3A_15 = arith.constant 0 : index
    %swap3A_16 = arith.constant 0 : index
    %swap3A_17 = vector.load %arg5[%swap3A_15, %swap3A_16] : memref<2000x1xf32, #tpu.memory_space<vmem>>, vector<2000x1xf32>
    tpu.vector_store %arg5[%swap3A_15, %swap3A_16], %rsqrt3A {strides = array<i32>} : memref<2000x1xf32, #tpu.memory_space<vmem>>, vector<2000x1xf32>,
    return
  }
  func.func @transform_0(%arg0: i32) -> (i32, i32) {
    %c0_i32 = arith.constant 0 : i32
    %c0_i32_0 = arith.constant 0 : i32
    return %arg0, %c0_i32 : i32, i32
  }
  func.func @transform_1(%arg0: i32) -> (i32, i32) {
    %c0_i32 = arith.constant 0 : i32
    %c0_i32_0 = arith.constant 0 : i32
    %c0_i32_1 = arith.constant 0 : i32
    return %c0_i32, %c0_i32_0 : i32, i32
  }
  func.func @transform_2(%arg0: i32) -> (i32, i32) {
    %c0_i32 = arith.constant 0 : i32
    %c0_i32_0 = arith.constant 0 : i32
    return %arg0, %c0_i32 : i32, i32
  }
  func.func @transform_3(%arg0: i32) -> (i32, i32) {
    %c0_i32 = arith.constant 0 : i32
    %c0_i32_0 = arith.constant 0 : i32
    return %arg0, %c0_i32 : i32, i32
  }
  func.func @transform_4(%arg0: i32) -> (i32, i32) {
    %c0_i32 = arith.constant 0 : i32
    %c0_i32_0 = arith.constant 0 : i32
    return %arg0, %c0_i32 : i32, i32
  }
}

module attributes {stable_mosaic.version = 14 : i64} {
  func.func @_finish_body(%arg0: i32, %arg1: memref<2x2000x128xf32, #tpu.memory_space<vmem>>, %arg2: memref<2000x128xf32, #tpu.memory_space<vmem>>, %arg3: memref<2000x1xf32, #tpu.memory_space<vmem>>, %arg4: memref<1x128xf32, #tpu.memory_space<vmem>>, %arg5: memref<2000x128xf32, #tpu.memory_space<vmem>>) attributes {dimension_semantics = [#tpu.dimension_semantics<arbitrary>], iteration_bounds = array<i64: 5>, scalar_prefetch = 0 : i64, scratch_operands = 0 : i64, tpu.core_type = #tpu.core_type<tc>, window_params = [{transform_indices = @transform_0, window_bounds = array<i64: 2, 2000, 128>}, {transform_indices = @transform_1, window_bounds = array<i64: 2000, 128>}, {transform_indices = @transform_2, window_bounds = array<i64: 2000, 1>}, {pipeline_mode = #tpu.pipeline_mode<synchronous>, transform_indices = @transform_3, window_bounds = array<i64: 1, 128>}, {transform_indices = @transform_4, window_bounds = array<i64: 2000, 128>}]} {
    %get3A = arith.constant 0 : index
    %get3A_0 = arith.constant 0 : index
    %get3A_1 = arith.constant 0 : index
    %get3A_2 = vector.load %arg1[%get3A, %get3A_0, %get3A_1] : memref<2x2000x128xf32, #tpu.memory_space<vmem>>, vector<1x2000x128xf32>
    %get3A_3 = vector.shape_cast %get3A_2 : vector<1x2000x128xf32> to vector<2000x128xf32>
    %get3A_4 = arith.constant 1 : index
    %get3A_5 = arith.constant 0 : index
    %get3A_6 = arith.constant 0 : index
    %get3A_7 = vector.load %arg1[%get3A_4, %get3A_5, %get3A_6] : memref<2x2000x128xf32, #tpu.memory_space<vmem>>, vector<1x2000x128xf32>
    %get3A_8 = vector.shape_cast %get3A_7 : vector<1x2000x128xf32> to vector<2000x128xf32>
    %add3A = arith.addf %get3A_3, %get3A_8 : vector<2000x128xf32>
    %get3A_9 = arith.constant 0 : index
    %get3A_10 = arith.constant 0 : index
    %get3A_11 = vector.load %arg2[%get3A_9, %get3A_10] : memref<2000x128xf32, #tpu.memory_space<vmem>>, vector<2000x128xf32>
    %add3A_12 = arith.addf %add3A, %get3A_11 : vector<2000x128xf32>
    %get3A_13 = arith.constant 0 : index
    %get3A_14 = arith.constant 0 : index
    %get3A_15 = vector.load %arg3[%get3A_13, %get3A_14] : memref<2000x1xf32, #tpu.memory_space<vmem>>, vector<2000x1xf32>
    %mul3A = vector.broadcast %get3A_15 : vector<2000x1xf32> to vector<2000x128xf32>
    %mul3A_16 = arith.mulf %add3A_12, %mul3A : vector<2000x128xf32>
    %get3A_17 = arith.constant 0 : index
    %get3A_18 = arith.constant 0 : index
    %get3A_19 = vector.load %arg4[%get3A_17, %get3A_18] : memref<1x128xf32, #tpu.memory_space<vmem>>, vector<1x128xf32>
    %add3A_20 = vector.broadcast %get3A_19 : vector<1x128xf32> to vector<2000x128xf32>
    %add3A_21 = arith.addf %mul3A_16, %add3A_20 : vector<2000x128xf32>
    %max3A = arith.constant 0.000000e+00 : f32
    %max3A_22 = vector.broadcast %max3A : f32 to vector<2000x128xf32>
    %max3A_23 = arith.maximumf %add3A_21, %max3A_22 : vector<2000x128xf32>
    %swap3A = arith.constant 0 : index
    %swap3A_24 = arith.constant 0 : index
    %swap3A_25 = vector.load %arg5[%swap3A, %swap3A_24] : memref<2000x128xf32, #tpu.memory_space<vmem>>, vector<2000x128xf32>
    tpu.vector_store %arg5[%swap3A, %swap3A_24], %max3A_23 {strides = array<i32>} : memref<2000x128xf32, #tpu.memory_space<vmem>>, vector<2000x128xf32>,
    return
  }
  func.func @transform_0(%arg0: i32) -> (i32, i32, i32) {
    %c0_i32 = arith.constant 0 : i32
    %c0_i32_0 = arith.constant 0 : i32
    %c0_i32_1 = arith.constant 0 : i32
    return %c0_i32, %arg0, %c0_i32_0 : i32, i32, i32
  }
  func.func @transform_1(%arg0: i32) -> (i32, i32) {
    %c0_i32 = arith.constant 0 : i32
    %c0_i32_0 = arith.constant 0 : i32
    return %arg0, %c0_i32 : i32, i32
  }
  func.func @transform_2(%arg0: i32) -> (i32, i32) {
    %c0_i32 = arith.constant 0 : i32
    %c0_i32_0 = arith.constant 0 : i32
    return %arg0, %c0_i32 : i32, i32
  }
  func.func @transform_3(%arg0: i32) -> (i32, i32) {
    %c0_i32 = arith.constant 0 : i32
    %c0_i32_0 = arith.constant 0 : i32
    %c0_i32_1 = arith.constant 0 : i32
    return %c0_i32, %c0_i32_0 : i32, i32
  }
  func.func @transform_4(%arg0: i32) -> (i32, i32) {
    %c0_i32 = arith.constant 0 : i32
    %c0_i32_0 = arith.constant 0 : i32
    return %arg0, %c0_i32 : i32, i32
  }
}

</mosaic_0001>

<sc_bundles>
// kernel: _run.6.cloned.1.call-start
scs
__scs_entry_jumppad:
0x0: {  	(pc) =	sbr.rel $0x88, $3  }
0x1: {  	(tag) =	ssettag $0x0;
	lr =	simm.s32 $0x1  }
0x2: {  	[smem:$0x3F9D] =	sst lr;
	_ =	strace $0xD0000000  }
0x3: {  	_ = 	snop  }
0x4: {  	_ = 	snop  }
0x5: {  	_ = 	snop  }
0x6: {  	_ = 	snop  }
0x7: {  	_ = 	snop  }
__scs_overlays_trampoline_lowered:
0x8: {  	[smem:$0x3FAC] =	sst s0  }
0x9: {  	[smem:$0x3FAD] =	sst s1  }
0xa: {  	[smem:$0x3FAE] =	sst s2  }
0xb: {  	[smem:$0x3FAF] =	sst s3  }
0xc: {  	[smem:$0x3FB0] =	sst s4  }
0xd: {  	[smem:$0x3FB1] =	sst s5  }
0xe: {  	[smem:$0x3FB2] =	sst s6  }
0xf: {  	[smem:$0x3FB3] =	sst s7  }
0x10: {  	[smem:$0x3FB4] =	sst s8  }
0x11: {  	[smem:$0x3FB5] =	sst s9;
	s0 =	simm.s32 @!p0 $0x0  }
0x12: {  	s1 =	sld [smem:$0x3F9B];
	s0 =	simm.s32 @p0 $0x1  }
0x13: {  	[smem:$0x3FB6] =	sst s0;
	s0 =	simm.s32 @!p1 $0x0  }
0x14: {  	s2 =	sld [smem:$0x3F9A];
	s0 =	simm.s32 @p1 $0x1  }
0x15: {  	[smem:$0x3FB7] =	sst s0;
	s0 =	simm.s32 @!p2 $0x0  }
0x16: {  	s3 =	sld [smem:$0x3FDB];
	s0 =	simm.s32 @p2 $0x1  }
0x17: {  	s4 =	simm.s32 $0x1BF5;
	[smem:$0x3FB9] =	sst s0  }
0x18: {  	s0 =	sld [smem:$0x3F9C];
	_ =	swait.ge [sflag:s4], $0x0  }
0x19: {  	s7 =	sld [smem:$0x3F9D]  }
0x1a: {  	s8 =	sadd.s32 $0xFFFFE003, lr  }
0x1b: {  	s9 =	sadd.s32 $0xFFFFFEF7, lr;
	s5 =	simm.s32 $0xFFFFFFFF;
	p2 =	slt.u32 s8, $0xFFFFF086  }
0x1c: {  	p1 =	slt.u32 s9, $0xF7A;
	s5 =	simm.s32 @!p2 $0x0  }
0x1d: {  	s5 =	simm.s32 @p1 $0x1;
	p0 =	seq.s32 s7, s2  }
0x1e: {  	s7 =	smul.u32 @!p0 $0xF7A, s2;
	p2 =	seq.s32 @!p0 s5, $0x0  }
0x1f: {  	s9 =	smul.u32 $0xF7A, s1;
	s8 =	simm.s32 @!p0 $0x1BF5;
	p2 =	por !p2, p0  }
0x20: {  	[sflag:s8] =	ssyncset.s32 @!p0 $0xFFFFF086;
	s6 =	sadd.s32 @!p0 s3, s7;
	s7 =	simm.s32 @!p0 $0x108  }
0x21: {  	s3 =	sadd.s32 s3, s9;
	s6 =	sadd.s32 @!p0 $0x88, s6;
	s7 =	simm.s32 @p2 $0x1082  }
0x22: {  	[simem:s7], [sflag:s8] =	dma.local @!p0 [hbm:s6], $0xF7A  }
0x23: {  	s9 =	sor.u32 $0xD0000000, s2;
	s6 =	simm.s32 $0x108;
	_ =	swait.ge @!p0 [sflag:s8], $0x0  }
0x24: {  	s3 =	sadd.s32 $0x88, s3;
	s6 =	simm.s32 @!p1 $0x1082;
	[sflag:s4] =	ssyncset.s32 $0xFFFFF086  }
0x25: {  	[simem:s6], [sflag:s4] =	dma.local [hbm:s3], $0xF7A  }
0x26: {  	[smem:$0x3F9D] =	sst s1;
	(tag) =	ssettag s2;
	_ =	strace s9  }
0x27: {  	s1 =	sld [smem:$0x3FAD]  }
0x28: {  	s2 =	sld [smem:$0x3FAE]  }
0x29: {  	s4 =	sld [smem:$0x3FB0]  }
0x2a: {  	p0 =	seq.s32 s5, $0x0;
	s5 =	sld [smem:$0x3FB1]  }
0x2b: {  	s6 =	sld [smem:$0x3FB2]  }
0x2c: {  	s7 =	sld [smem:$0x3FB3]  }
0x2d: {  	s3 =	simm.s32 $0x108;
	s8 =	sld [smem:$0x3FB4]  }
0x2e: {  	s3 =	simm.s32 @!p0 $0x1082;
	s9 =	sld [smem:$0x3FB5]  }
0x2f: {  	lr =	sadd.s32 s0, s3;
	s0 =	sld [smem:$0x3FAC]  }
0x30: {  	s3 =	sld [smem:$0x3FAF]  }
0x31: {  	[smem:$0x3FB8] =	sst s10  }
0x32: {  	s10 =	sld [smem:$0x3FB6];
	_ =	sdelay $0x3  }
0x33: {  	p0 =	seq.s32 s10, $0x1;
	s10 =	sld [smem:$0x3FB8];
	_ =	sdelay $0x3  }
0x34: {  	[smem:$0x3FB8] =	sst s10  }
0x35: {  	s10 =	sld [smem:$0x3FB7];
	_ =	sdelay $0x3  }
0x36: {  	p1 =	seq.s32 s10, $0x1;
	s10 =	sld [smem:$0x3FB8];
	_ =	sdelay $0x3  }
0x37: {  	[smem:$0x3FB8] =	sst s10  }
0x38: {  	s10 =	sld [smem:$0x3FB9]  }
0x39: {  	_ = 	snop;
	(pc) =	sbr.ind lr, $3  }
0x3a: {  	_ = 	snop  }
0x3b: {  	_ = 	snop  }
0x3c: {  	p2 =	seq.s32 s10, $0x1;
	s10 =	sld [smem:$0x3FB8]  }
0x3d: {  	_ =	shalt  }
0x3e: {  	_ =	shalt  }
0x3f: {  	_ =	shalt  }
0x40: {  	_ =	shalt  }
0x41: {  	_ =	shalt  }
0x42: {  	_ =	shalt  }
0x43: {  	_ =	shalt  }
0x44: {  	_ =	shalt  }
0x45: {  	_ =	shalt  }
0x46: {  	_ =	shalt  }
0x47: {  	_ =	shalt  }
0x48: {  	_ =	shalt  }
0x49: {  	_ =	shalt  }
0x4a: {  	_ =	shalt  }
0x4b: {  	_ =	shalt  }
0x4c: {  	_ =	shalt  }
0x4d: {  	_ =	shalt  }
0x4e: {  	_ =	shalt  }
0x4f: {  	_ =	shalt  }
0x50: {  	_ =	shalt  }
0x51: {  	_ =	shalt  }
0x52: {  	_ =	shalt  }
0x53: {  	_ =	shalt  }
0x54: {  	_ =	shalt  }
0x55: {  	_ =	shalt  }
0x56: {  	_ =	shalt  }
0x57: {  	_ =	shalt  }
0x58: {  	_ =	shalt  }
0x59: {  	_ =	shalt  }
0x5a: {  	_ =	shalt  }
0x5b: {  	_ =	shalt  }
0x5c: {  	_ =	shalt  }
0x5d: {  	_ =	shalt  }
0x5e: {  	_ =	shalt  }
0x5f: {  	_ =	shalt  }
0x60: {  	_ =	shalt  }
0x61: {  	_ =	shalt  }
0x62: {  	_ =	shalt  }
0x63: {  	_ =	shalt  }
0x64: {  	_ =	shalt  }
0x65: {  	_ =	shalt  }
0x66: {  	_ =	shalt  }
0x67: {  	_ =	shalt  }
0x68: {  	_ =	shalt  }
0x69: {  	_ =	shalt  }
0x6a: {  	_ =	shalt  }
0x6b: {  	_ =	shalt  }
0x6c: {  	_ =	shalt  }
0x6d: {  	_ =	shalt  }
0x6e: {  	_ =	shalt  }
0x6f: {  	_ =	shalt  }
0x70: {  	_ =	shalt  }
0x71: {  	_ =	shalt  }
0x72: {  	_ =	shalt  }
0x73: {  	_ =	shalt  }
0x74: {  	_ =	shalt  }
0x75: {  	_ =	shalt  }
0x76: {  	_ =	shalt  }
0x77: {  	_ =	shalt  }
0x78: {  	_ =	shalt  }
0x79: {  	_ =	shalt  }
0x7a: {  	_ =	shalt  }
0x7b: {  	_ =	shalt  }
0x7c: {  	_ =	shalt  }
0x7d: {  	_ =	shalt  }
0x7e: {  	_ =	shalt  }
0x7f: {  	_ =	shalt  }
0x80: {  	_ =	shalt  }
0x81: {  	_ =	shalt  }
0x82: {  	_ =	shalt  }
0x83: {  	_ =	shalt  }
0x84: {  	_ =	shalt  }
0x85: {  	_ =	shalt  }
0x86: {  	_ =	shalt  }
0x87: {  	_ =	shalt  }
.Lfunc_end0:
.L_simem_size_0:
called_computation_lowered:
.L_overlay_start_0:
0x88: {  	s2 =	sld [smem:$0x3FD9]  }
0x89: {  	s3 =	sld [smem:$0x3FFE];
	_ =	sdelay $0x1  }
0x8a: {  	s1 =	srdreg.scid  }
0x8b: {  	s0 =	sand.u32 $0x1, s1  }
0x8c: {  	s17 =	sshll.u32 s0, $0xA;
	s2 =	sadd.s32 s3, s2  }
0x8d: {  	s2 =	sadd.s32 s2, s17  }
0x8e: {  	[smem:$0x3FC4] =	sst s2  }
0x8f: {  	_ = 	snop  }
0x90: {  	s2 =	sld [smem:$0x3FD0];
	(tm) =	ssettm $0x1  }
0x91: {  	s18 =	sld [smem:$0x3FFB];
	_ =	sdelay $0x3  }
0x92: {  	_ =	strace s18  }
0x93: {  	s3 =	sld [smem:$0x3FFC];
	_ =	sdelay $0x3  }
0x94: {  	_ =	strace s3  }
0x95: {  	s3 =	sld [smem:$0x3FFD];
	_ =	sdelay $0x3  }
0x96: {  	_ =	strace s3  }
0x97: {  	_ =	strace $0x8FFFFFFF  }
0x98: {  	s19 =	sld [smem:$0x3FDB];
	_ =	sdelay $0x1  }
0x99: {  	s4 =	simm.s32 $_scs_section_size  }
0x9a: {  	s5 =	simm.s32 $_size__tile_overlayer_lowered;
	s6 =	simm.s32 $_tile_overlayer_lowered  }
0x9b: {  	s22 =	simm.s32 $0x1BFF;
	s21 =	sshll.u32 s6, $0x1;
	s3 =	sadd.s32 s4, s19  }
0x9c: {  	s7 =	simm.s32 $0x0;
	s20 =	sshll.u32 s5, $0x1;
	s5 =	sadd.s32 s21, s3  }
0x9d: {  	[timem:s7], [sflag:s22] =	dma.local [hbm:s5], s20  }
0x9e: {  	_ =	swait.ge [sflag:s22], s20  }
0x9f: {  	s4 =	ssub.s32 $0x0, s20;
	[sflag:s22] =	ssyncset.done $0x0  }
0xa0: {  	[sflag:s22] =	ssyncadd.s32 s4;
	_ =	sdelay $0x1  }
0xa1: {  	s23 =	simm.s32 $0x1B8B  }
0xa2: {  	_ =	swait.ge [sflag:s23], $0x1  }
0xa3: {  	[sflag:s23] =	ssyncset.done $0x0  }
0xa4: {  	s25 =	simm.s32 $0x1B8E;
	s24 =	sld [smem:$0x3FFE];
	[sflag:s23] =	ssyncadd.s32 $0xFFFFFFFF  }
0xa5: {  	s26 =	simm.s32 $execute0_lowered;
	[smem:$0x3FD2] =	sst s25  }
0xa6: {  	s5 =	sshll.u32 s26, $0x1;
	_ =	strace $0x80000046;
	[dreg:$0x1] =	wrdreg $0xFFFFFFFF  }
0xa7: {  	s28 =	simm.s32 $_size_execute0_lowered;
	s3 =	sadd.s32 s3, s5;
	[dreg:$0x0] =	wrdreg $0x0  }
0xa8: {  	s5 =	sshll.u32 s28, $0x1;
	[dreg:$0x2] =	wrdreg s3  }
0xa9: {  	[dreg:$0x3] =	wrdreg s5  }
0xaa: {  	[dreg:$0x4] =	wrdreg $0xC0  }
0xab: {  	_ =	task [dreg:s7], $0x5FFFF  }
0xac: {  	[dreg:$0x1] =	wrdreg $0xFFFFFFFF  }
0xad: {  	[dreg:$0x0] =	wrdreg $0x60  }
0xae: {  	[dreg:$0x2] =	wrdreg s24  }
0xaf: {  	[dreg:$0x3] =	wrdreg s2  }
0xb0: {  	[dreg:$0x4] =	wrdreg $0x9  }
0xb1: {  	_ =	task.clear_ibuf [dreg:s7], $0x5FFFF;
	_ =	strace $0x90000046  }
0xb2: {  	s29 =	simm.s32 $0x9;
	_ =	strace $0x80000048  }
0xb3: {  	_ =	swait.ge [sflag:s29], $0x1  }
0xb4: {  	[sflag:s29] =	ssyncadd.s32 $0xFFFFFFFF  }
0xb5: {  	_ =	strace $0x90000048  }
0xb6: {  	_ =	sfence  }
0xb7: {  	s30 =	sld [smem:$0x0];
	_ =	sdelay $0x2  }
0xb8: {  	s31 =	sshll.u32 s1, $0xD;
	s1 =	sshrl.u32 s1, $0x2  }
0xb9: {  	s3 =	sand.u32 $0x4000, s31;
	s1 =	sadd.s32 s1, s30  }
0xba: {  	s0 =	sor.u32 s3, s0;
	s1 =	sshll.u32 s1, $0x11  }
0xbb: {  	s0 =	sor.u32 s1, s0  }
0xbc: {  	s0 =	sadd.s32 $0x8F2B, s0  }
0xbd: {  	[sflag:s0] =	ssyncadd.remote.s32 $0x1  }
0xbe: {  	_ =	sfence.sel $0xFFFF  }
0xbf: {  	[dreg:$0x0] =	wrdreg $0xFFFFFFFF;
	(pc) =	sbr.abs _section_cstart, $3  }
0xc0: {  	[dreg:$0x1] =	wrdreg $0xFFFFFFFF  }
0xc1: {  	_ =	task.clear_ibuf [dreg:s7], $0x2FFFF;
	_ =	strace $0x9FFFFFFF  }
0xc2: {  	(tm) =	ssettm $0x7FFFFFFF  }
0xc3: {  	_ =	shalt  }
tec
execute0_lowered:
.L_overlay_start_1:
0x0: {  	(tag) =	ssettag $0x1  }
0x1: {  	s3 =	rddreg [dreg:$0x0];
	s1 =	srdreg.scid  }
0x2: {  	s0 =	stileid.u32;
	s4 =	rddreg [dreg:$0x1]  }
0x3: {  	s8 =	simm.s32 $0x0;
	s5 =	sand.u32 $0x1, s1;
	s2 =	sshll.u32 s0, $0x1  }
0x4: {  	s6 =	sor.u32 s5, s2;
	s2 =	simm.s32 $0x0;
	s5 =	ssub.s32 $0x2, s5  }
0x5: {  	s6 =	smul.u32 $0x4E2, s6;
	[smem:$0x7FF] =	sst s2;
	s7 =	sshrl.u32 s5, $0x1  }
0x6: {  	s1 =	rddreg [dreg:$0x2];
	_ =	strace $0x80000047;
	s5 =	ssub.s32 s5, s7  }
0x7: {  	s7 =	simm.s32 $0x2780;
	s3 =	sadd.s32 s6, s3;
	s4 =	sadd.s32 s4, s6  }
0x8: {  	v0 =	vimm.f32 $0.0e+00;
	v1 =	vimm.f32 $1.000000000e+00;
	s5 =	smax.u32 s5, $0x1;
	s6 =	simm.s32 $0x1;
	s3 =	sadd.s32 $0xB800, s3  }
.LBB2_1:
0x9: {  	[tilespmem:s2], [sflag:$0x1] =	stream.linear.gather [hbm4b:s3+s2], $0x2710, $0x38;
	[tilespmem:$0x4F00] =	vst v63  }
0xa: {  	_ =	swait.ge [sflag:s6], $0x2710  }
0xb: {  	[sflag:s6] =	ssyncset.done $0x0  }
0xc: {  	s9 =	simm.s32 $0x0;
	[sflag:s6] =	ssyncadd.s32 $0xFFFFD8F0  }
.LBB2_2:
0xd: {  	p0 =	sne.s32 s9, $0x9C00  }
.Ltmp0:
0xe: {  	_ = 	snop;
	(pc) =	sbr.rel @p0 .LBB2_2-.Ltmp0, $3  }
0xf: {  	_ =	sdelay $0x1  }
0x10: {  	s10 =	sshra.s32 s9, $0x2  }
0x11: {  	s9 =	sadd.s32 $0x40, s9;
	[tilespmem:s10+$0x2780] =	vst v0  }
0x12: {  	s10 =	simm.s32 $0x0;
	s9 =	simm.s32 $0x40  }
.LBB2_4:
0x13: {  	p0 =	sne.s32 s9, $0x9C00;
	v2 =	vld [tilespmem:s10+$0x0];
	_ =	sdelay $0x3  }
.Ltmp1:
0x14: {  	(pc) =	sbr.rel @p0 .LBB2_4-.Ltmp1, $2  }
0x15: {  	_ =	sdelay $0x2  }
0x16: {  	s10 =	sshra.s32 s9, $0x2;
	s9 =	sadd.s32 $0x40, s9;
	[tilespmem:v2+s7+$0x0] =	vst.idx.add.f32.msk $0xffff, v1  }
0x17: {  	v2 =	vld [tilespmem:s10+$0x0];
	_ =	sdelay $0x5  }
0x18: {  	s8 =	sadd.s32 $0x1, s8  }
0x19: {  	p0 =	sne.s32 s8, s5  }
.Ltmp2:
0x1a: {  	[tilespmem:v2+s7+$0x0] =	vst.idx.add.f32.msk $0xffff, v1;
	(pc) =	sbr.rel @p0 .LBB2_1-.Ltmp2, $4  }
0x1b: {  	[hbm4b:s4+s2] =	stream.linear.scatter [tilespmem:s7], [sflag:$0x1], $0x2710, $0x38;
	[tilespmem:$0x4F00] =	vst v63  }
0x1c: {  	_ =	swait.ge [sflag:s6], $0x2710  }
0x1d: {  	[sflag:s6] =	ssyncset.done $0x0  }
0x1e: {  	[sflag:s6] =	ssyncadd.s32 $0xFFFFD8F0  }
0x1f: {  	_ =	sfence.sel $0x180000  }
0x20: {  	[bflag:$0x0] =	sbarrier.arrive $0xFFFF  }
0x21: {  	p0 =	sne.s32 s0, $0x0;
	_ =	strace $0x90000047  }
0x22: {  	s0 =	sadd.s32 @!p0 $0x100000, s1;
	[bflag:$0x2] =	sbarrier.arrive $0xFFFF  }
0x23: {  	[sflag:s0] =	ssyncadd.tile.s32 @!p0 $0x1;
	_ =	shalt  }
.Lfunc_end2:
_tile_overlayer_lowered:
.L_overlay_start_2:
0x24: {  	(tag) =	ssettag $0x2  }
0x25: {  	s0 =	rddreg [dreg:$0x0];
	s2 =	stileid.u32  }
0x26: {  	s1 =	rddreg [dreg:$0x1];
	p0 =	sne.s32 s2, $0x0  }
0x27: {  	s3 =	rddreg [dreg:$0x2];
	[bflag:$0x3] =	sbarrier.arrive $0xFFFF;
	s2 =	simm.s32 @!p0 $0x1C01  }
0x28: {  	[timem:s3], [sflag:s2] =	dma.local @!p0 [hbm:s0], s1  }
0x29: {  	s0 =	simm.s32 @!p0 $0x1  }
0x2a: {  	_ =	swait.ge @!p0 [sflag:s0], s1  }
0x2b: {  	s1 =	ssub.s32 @!p0 $0x0, s1;
	[sflag:s0] =	ssyncset.done @!p0 $0x0  }
0x2c: {  	[sflag:s0] =	ssyncadd.s32 @!p0 s1  }
0x2d: {  	[bflag:$0x3] =	sbarrier.arrive $0xFFFF  }
0x2e: {  	_ =	shalt  }

// kernel: _run.9.cloned.1.call-start
scs
__scs_entry_jumppad:
0x0: {  	(pc) =	sbr.rel $0x88, $3  }
0x1: {  	(tag) =	ssettag $0x0;
	lr =	simm.s32 $0x1  }
0x2: {  	[smem:$0x3F9D] =	sst lr;
	_ =	strace $0xD0000000  }
0x3: {  	_ = 	snop  }
0x4: {  	_ = 	snop  }
0x5: {  	_ = 	snop  }
0x6: {  	_ = 	snop  }
0x7: {  	_ = 	snop  }
__scs_overlays_trampoline_lowered:
0x8: {  	[smem:$0x3FAC] =	sst s0  }
0x9: {  	[smem:$0x3FAD] =	sst s1  }
0xa: {  	[smem:$0x3FAE] =	sst s2  }
0xb: {  	[smem:$0x3FAF] =	sst s3  }
0xc: {  	[smem:$0x3FB0] =	sst s4  }
0xd: {  	[smem:$0x3FB1] =	sst s5  }
0xe: {  	[smem:$0x3FB2] =	sst s6  }
0xf: {  	[smem:$0x3FB3] =	sst s7  }
0x10: {  	[smem:$0x3FB4] =	sst s8  }
0x11: {  	[smem:$0x3FB5] =	sst s9;
	s0 =	simm.s32 @!p0 $0x0  }
0x12: {  	s1 =	sld [smem:$0x3F9B];
	s0 =	simm.s32 @p0 $0x1  }
0x13: {  	[smem:$0x3FB6] =	sst s0;
	s0 =	simm.s32 @!p1 $0x0  }
0x14: {  	s2 =	sld [smem:$0x3F9A];
	s0 =	simm.s32 @p1 $0x1  }
0x15: {  	[smem:$0x3FB7] =	sst s0;
	s0 =	simm.s32 @!p2 $0x0  }
0x16: {  	s3 =	sld [smem:$0x3FDB];
	s0 =	simm.s32 @p2 $0x1  }
0x17: {  	s4 =	simm.s32 $0x1BF5;
	[smem:$0x3FB9] =	sst s0  }
0x18: {  	s0 =	sld [smem:$0x3F9C];
	_ =	swait.ge [sflag:s4], $0x0  }
0x19: {  	s7 =	sld [smem:$0x3F9D]  }
0x1a: {  	s8 =	sadd.s32 $0xFFFFE003, lr  }
0x1b: {  	s9 =	sadd.s32 $0xFFFFFEF7, lr;
	s5 =	simm.s32 $0xFFFFFFFF;
	p2 =	slt.u32 s8, $0xFFFFF086  }
0x1c: {  	p1 =	slt.u32 s9, $0xF7A;
	s5 =	simm.s32 @!p2 $0x0  }
0x1d: {  	s5 =	simm.s32 @p1 $0x1;
	p0 =	seq.s32 s7, s2  }
0x1e: {  	s7 =	smul.u32 @!p0 $0xF7A, s2;
	p2 =	seq.s32 @!p0 s5, $0x0  }
0x1f: {  	s9 =	smul.u32 $0xF7A, s1;
	s8 =	simm.s32 @!p0 $0x1BF5;
	p2 =	por !p2, p0  }
0x20: {  	[sflag:s8] =	ssyncset.s32 @!p0 $0xFFFFF086;
	s6 =	sadd.s32 @!p0 s3, s7;
	s7 =	simm.s32 @!p0 $0x108  }
0x21: {  	s3 =	sadd.s32 s3, s9;
	s6 =	sadd.s32 @!p0 $0x88, s6;
	s7 =	simm.s32 @p2 $0x1082  }
0x22: {  	[simem:s7], [sflag:s8] =	dma.local @!p0 [hbm:s6], $0xF7A  }
0x23: {  	s9 =	sor.u32 $0xD0000000, s2;
	s6 =	simm.s32 $0x108;
	_ =	swait.ge @!p0 [sflag:s8], $0x0  }
0x24: {  	s3 =	sadd.s32 $0x88, s3;
	s6 =	simm.s32 @!p1 $0x1082;
	[sflag:s4] =	ssyncset.s32 $0xFFFFF086  }
0x25: {  	[simem:s6], [sflag:s4] =	dma.local [hbm:s3], $0xF7A  }
0x26: {  	[smem:$0x3F9D] =	sst s1;
	(tag) =	ssettag s2;
	_ =	strace s9  }
0x27: {  	s1 =	sld [smem:$0x3FAD]  }
0x28: {  	s2 =	sld [smem:$0x3FAE]  }
0x29: {  	s4 =	sld [smem:$0x3FB0]  }
0x2a: {  	p0 =	seq.s32 s5, $0x0;
	s5 =	sld [smem:$0x3FB1]  }
0x2b: {  	s6 =	sld [smem:$0x3FB2]  }
0x2c: {  	s7 =	sld [smem:$0x3FB3]  }
0x2d: {  	s3 =	simm.s32 $0x108;
	s8 =	sld [smem:$0x3FB4]  }
0x2e: {  	s3 =	simm.s32 @!p0 $0x1082;
	s9 =	sld [smem:$0x3FB5]  }
0x2f: {  	lr =	sadd.s32 s0, s3;
	s0 =	sld [smem:$0x3FAC]  }
0x30: {  	s3 =	sld [smem:$0x3FAF]  }
0x31: {  	[smem:$0x3FB8] =	sst s10  }
0x32: {  	s10 =	sld [smem:$0x3FB6];
	_ =	sdelay $0x3  }
0x33: {  	p0 =	seq.s32 s10, $0x1;
	s10 =	sld [smem:$0x3FB8];
	_ =	sdelay $0x3  }
0x34: {  	[smem:$0x3FB8] =	sst s10  }
0x35: {  	s10 =	sld [smem:$0x3FB7];
	_ =	sdelay $0x3  }
0x36: {  	p1 =	seq.s32 s10, $0x1;
	s10 =	sld [smem:$0x3FB8];
	_ =	sdelay $0x3  }
0x37: {  	[smem:$0x3FB8] =	sst s10  }
0x38: {  	s10 =	sld [smem:$0x3FB9]  }
0x39: {  	_ = 	snop;
	(pc) =	sbr.ind lr, $3  }
0x3a: {  	_ = 	snop  }
0x3b: {  	_ = 	snop  }
0x3c: {  	p2 =	seq.s32 s10, $0x1;
	s10 =	sld [smem:$0x3FB8]  }
0x3d: {  	_ =	shalt  }
0x3e: {  	_ =	shalt  }
0x3f: {  	_ =	shalt  }
0x40: {  	_ =	shalt  }
0x41: {  	_ =	shalt  }
0x42: {  	_ =	shalt  }
0x43: {  	_ =	shalt  }
0x44: {  	_ =	shalt  }
0x45: {  	_ =	shalt  }
0x46: {  	_ =	shalt  }
0x47: {  	_ =	shalt  }
0x48: {  	_ =	shalt  }
0x49: {  	_ =	shalt  }
0x4a: {  	_ =	shalt  }
0x4b: {  	_ =	shalt  }
0x4c: {  	_ =	shalt  }
0x4d: {  	_ =	shalt  }
0x4e: {  	_ =	shalt  }
0x4f: {  	_ =	shalt  }
0x50: {  	_ =	shalt  }
0x51: {  	_ =	shalt  }
0x52: {  	_ =	shalt  }
0x53: {  	_ =	shalt  }
0x54: {  	_ =	shalt  }
0x55: {  	_ =	shalt  }
0x56: {  	_ =	shalt  }
0x57: {  	_ =	shalt  }
0x58: {  	_ =	shalt  }
0x59: {  	_ =	shalt  }
0x5a: {  	_ =	shalt  }
0x5b: {  	_ =	shalt  }
0x5c: {  	_ =	shalt  }
0x5d: {  	_ =	shalt  }
0x5e: {  	_ =	shalt  }
0x5f: {  	_ =	shalt  }
0x60: {  	_ =	shalt  }
0x61: {  	_ =	shalt  }
0x62: {  	_ =	shalt  }
0x63: {  	_ =	shalt  }
0x64: {  	_ =	shalt  }
0x65: {  	_ =	shalt  }
0x66: {  	_ =	shalt  }
0x67: {  	_ =	shalt  }
0x68: {  	_ =	shalt  }
0x69: {  	_ =	shalt  }
0x6a: {  	_ =	shalt  }
0x6b: {  	_ =	shalt  }
0x6c: {  	_ =	shalt  }
0x6d: {  	_ =	shalt  }
0x6e: {  	_ =	shalt  }
0x6f: {  	_ =	shalt  }
0x70: {  	_ =	shalt  }
0x71: {  	_ =	shalt  }
0x72: {  	_ =	shalt  }
0x73: {  	_ =	shalt  }
0x74: {  	_ =	shalt  }
0x75: {  	_ =	shalt  }
0x76: {  	_ =	shalt  }
0x77: {  	_ =	shalt  }
0x78: {  	_ =	shalt  }
0x79: {  	_ =	shalt  }
0x7a: {  	_ =	shalt  }
0x7b: {  	_ =	shalt  }
0x7c: {  	_ =	shalt  }
0x7d: {  	_ =	shalt  }
0x7e: {  	_ =	shalt  }
0x7f: {  	_ =	shalt  }
0x80: {  	_ =	shalt  }
0x81: {  	_ =	shalt  }
0x82: {  	_ =	shalt  }
0x83: {  	_ =	shalt  }
0x84: {  	_ =	shalt  }
0x85: {  	_ =	shalt  }
0x86: {  	_ =	shalt  }
0x87: {  	_ =	shalt  }
.Lfunc_end0:
.L_simem_size_0:
called_computation.1_lowered:
.L_overlay_start_0:
0x88: {  	s2 =	sld [smem:$0x3FD9]  }
0x89: {  	s3 =	sld [smem:$0x3FFE];
	_ =	sdelay $0x1  }
0x8a: {  	s1 =	srdreg.scid  }
0x8b: {  	s0 =	sand.u32 $0x1, s1  }
0x8c: {  	s17 =	sshll.u32 s0, $0xA;
	s2 =	sadd.s32 s3, s2  }
0x8d: {  	s2 =	sadd.s32 s2, s17  }
0x8e: {  	[smem:$0x3FC4] =	sst s2  }
0x8f: {  	_ = 	snop  }
0x90: {  	s2 =	sld [smem:$0x3FD0];
	(tm) =	ssettm $0x1  }
0x91: {  	s18 =	sld [smem:$0x3FFB];
	_ =	sdelay $0x3  }
0x92: {  	_ =	strace s18  }
0x93: {  	s3 =	sld [smem:$0x3FFC];
	_ =	sdelay $0x3  }
0x94: {  	_ =	strace s3  }
0x95: {  	s3 =	sld [smem:$0x3FFD];
	_ =	sdelay $0x3  }
0x96: {  	_ =	strace s3  }
0x97: {  	_ =	strace $0x8FFFFFFF  }
0x98: {  	s19 =	sld [smem:$0x3FDB];
	_ =	sdelay $0x1  }
0x99: {  	s4 =	simm.s32 $_scs_section_size  }
0x9a: {  	s5 =	simm.s32 $_size__tile_overlayer_lowered;
	s6 =	simm.s32 $_tile_overlayer_lowered  }
0x9b: {  	s22 =	simm.s32 $0x1BFF;
	s21 =	sshll.u32 s6, $0x1;
	s3 =	sadd.s32 s4, s19  }
0x9c: {  	s7 =	simm.s32 $0x0;
	s20 =	sshll.u32 s5, $0x1;
	s5 =	sadd.s32 s21, s3  }
0x9d: {  	[timem:s7], [sflag:s22] =	dma.local [hbm:s5], s20  }
0x9e: {  	_ =	swait.ge [sflag:s22], s20  }
0x9f: {  	s4 =	ssub.s32 $0x0, s20;
	[sflag:s22] =	ssyncset.done $0x0  }
0xa0: {  	[sflag:s22] =	ssyncadd.s32 s4;
	_ =	sdelay $0x1  }
0xa1: {  	s23 =	simm.s32 $0x1B8B  }
0xa2: {  	_ =	swait.ge [sflag:s23], $0x1  }
0xa3: {  	[sflag:s23] =	ssyncset.done $0x0  }
0xa4: {  	s25 =	simm.s32 $0x1B8E;
	s24 =	sld [smem:$0x3FFE];
	[sflag:s23] =	ssyncadd.s32 $0xFFFFFFFF  }
0xa5: {  	s26 =	simm.s32 $execute0_lowered;
	[smem:$0x3FD2] =	sst s25  }
0xa6: {  	s5 =	sshll.u32 s26, $0x1;
	_ =	strace $0x80000049;
	[dreg:$0x1] =	wrdreg $0xFFFFFFFF  }
0xa7: {  	s28 =	simm.s32 $_size_execute0_lowered;
	s3 =	sadd.s32 s3, s5;
	[dreg:$0x0] =	wrdreg $0x0  }
0xa8: {  	s5 =	sshll.u32 s28, $0x1;
	[dreg:$0x2] =	wrdreg s3  }
0xa9: {  	[dreg:$0x3] =	wrdreg s5  }
0xaa: {  	[dreg:$0x4] =	wrdreg $0xC0  }
0xab: {  	_ =	task [dreg:s7], $0x5FFFF  }
0xac: {  	[dreg:$0x1] =	wrdreg $0xFFFFFFFF  }
0xad: {  	[dreg:$0x0] =	wrdreg $0x60  }
0xae: {  	[dreg:$0x2] =	wrdreg s2  }
0xaf: {  	[dreg:$0x3] =	wrdreg s24  }
0xb0: {  	[dreg:$0x4] =	wrdreg $0xC7000  }
0xb1: {  	[dreg:$0x5] =	wrdreg $0x9  }
0xb2: {  	_ =	task.clear_ibuf [dreg:s7], $0x6FFFF;
	_ =	strace $0x90000049  }
0xb3: {  	s29 =	simm.s32 $0x9;
	_ =	strace $0x8000004B  }
0xb4: {  	_ =	swait.ge [sflag:s29], $0x1  }
0xb5: {  	[sflag:s29] =	ssyncadd.s32 $0xFFFFFFFF  }
0xb6: {  	_ =	strace $0x9000004B  }
0xb7: {  	_ =	sfence  }
0xb8: {  	s30 =	sld [smem:$0x0];
	_ =	sdelay $0x2  }
0xb9: {  	s31 =	sshll.u32 s1, $0xD;
	s1 =	sshrl.u32 s1, $0x2  }
0xba: {  	s3 =	sand.u32 $0x4000, s31;
	s1 =	sadd.s32 s1, s30  }
0xbb: {  	s0 =	sor.u32 s3, s0;
	s1 =	sshll.u32 s1, $0x11  }
0xbc: {  	s0 =	sor.u32 s1, s0  }
0xbd: {  	s0 =	sadd.s32 $0x8F2B, s0  }
0xbe: {  	[sflag:s0] =	ssyncadd.remote.s32 $0x1  }
0xbf: {  	_ =	sfence.sel $0xFFFF  }
0xc0: {  	[dreg:$0x0] =	wrdreg $0xFFFFFFFF;
	(pc) =	sbr.abs _section_cstart, $3  }
0xc1: {  	[dreg:$0x1] =	wrdreg $0xFFFFFFFF  }
0xc2: {  	_ =	task.clear_ibuf [dreg:s7], $0x2FFFF;
	_ =	strace $0x9FFFFFFF  }
0xc3: {  	(tm) =	ssettm $0x7FFFFFFF  }
tec
execute0_lowered:
.L_overlay_start_1:
0x0: {  	(tag) =	ssettag $0x1  }
0x1: {  	s1 =	rddreg [dreg:$0x0]  }
0x2: {  	s0 =	srdreg.scid;
	s2 =	rddreg [dreg:$0x1]  }
0x3: {  	s14 =	stileid.u32;
	s3 =	rddreg [dreg:$0x2];
	s15 =	simm.s32 $0x2780  }
0x4: {  	s16 =	simm.s32 $0x50;
	s17 =	simm.s32 $0x4F00;
	s18 =	simm.s32 $0x7700  }
0x5: {  	s19 =	simm.s32 $0x1;
	s21 =	simm.s32 $0x9F00;
	s22 =	simm.s32 $0x2  }
0x6: {  	s24 =	simm.s32 $0x4;
	s29 =	simm.s32 $0x5;
	s30 =	simm.s32 $0x140  }
0x7: {  	s31 =	simm.s32 $0x6;
	s20 =	simm.s32 $0x0;
	s8 =	smul.u32 $0x4F000, s14  }
0x8: {  	s0 =	sand.u32 $0x1, s0;
	s4 =	sshll.u32 s14, $0x1;
	s28 =	smul.u32 $0x2780, s14  }
0x9: {  	s12 =	sadd.s32 $0x128400, s3;
	s5 =	sor.u32 s0, s4;
	s10 =	smul.u32 $0x27100, s0  }
0xa: {  	s4 =	simm.s32 $0x0;
	s6 =	ssub.s32 $0x2, s0;
	s0 =	smul.u32 $0x138800, s0  }
0xb: {  	p0 =	seq.s32 s14, $0xF;
	s5 =	smul.u32 $0x4E2, s5;
	[smem:$0x7FF] =	sst s4  }
0xc: {  	s9 =	sshrl.u32 s6, $0x1;
	s26 =	sshrl.u32 s8, $0x2;
	_ =	strace $0x8000004A  }
0xd: {  	s11 =	ssub.s32 s6, s9;
	s13 =	sadd.s32 s26, s3;
	s0 =	sshrl.u32 s0, $0x3  }
0xe: {  	s8 =	sadd.s32 s28, s10;
	s26 =	simm.s32 $0x3;
	s7 =	sadd.s32 s5, s2  }
0xf: {  	s5 =	sadd.s32 $0x15600, s2;
	s2 =	sadd.s32 $0x17E00, s2;
	s10 =	smax.u32 s11, $0x1  }
0x10: {  	s11 =	sshrl.u32 @p0 s12, $0x3;
	s13 =	sshrl.u32 @!p0 s13, $0x3;
	s6 =	sadd.s32 $0x1A00, s7  }
0x11: {  	s7 =	sadd.s32 $0xB800, s7;
	s0 =	sadd.s32 s2, s0;
	s8 =	sadd.s32 s2, s8  }
0x12: {  	s2 =	simm.s32 $0x4DF0;
	s9 =	sadd.s32 $0x25080, s0;
	s0 =	sshll.u32 @!p0 s14, $0x6  }
0x13: {  	s14 =	simm.s32 $0x7;
	s12 =	sor.u32 @!p0 $0x1C07, s0;
	s0 =	simm.s32 $0x4E40  }
.LBB2_1:
0x14: {  	s23 =	simm.s32 @p0 $0x1FC7  }
0x15: {  	[spmem:s11], [sflag:s23] =	dma.local @p0 [hbm:s5], $0x2080  }
0x16: {  	s23 =	simm.s32 @p0 $0x7  }
0x17: {  	_ =	swait.ge @p0 [sflag:s23], $0x2080  }
0x18: {  	[sflag:s23] =	ssyncset.done @p0 $0x0  }
0x19: {  	[sflag:s23] =	ssyncadd.s32 @p0 $0xFFFFDF80;
	s23 =	simm.s32 @!p0 $0x7  }
0x1a: {  	[spmem:s13], [sflag:s12] =	dma.local @!p0 [hbm:s5], $0x2780  }
0x1b: {  	_ =	swait.ge @!p0 [sflag:s23], $0x2780  }
0x1c: {  	[sflag:s23] =	ssyncset.done @!p0 $0x0  }
0x1d: {  	[sflag:s23] =	ssyncadd.s32 @!p0 $0xFFFFD880  }
0x1e: {  	[bflag:$0x0] =	sbarrier.arrive $0xFFFF  }
0x1f: {  	[tilespmem:s4], [sflag:$0x7] =	stream.linear.gather [hbm4b:s6+s4], $0x2710, $0x38;
	[tilespmem:$0x1FF80] =	vst v63  }
0x20: {  	_ =	swait.ge [sflag:s14], $0x2710  }
0x21: {  	[sflag:s14] =	ssyncset.done $0x0  }
0x22: {  	[sflag:s14] =	ssyncadd.s32 $0xFFFFD8F0  }
0x23: {  	[tilespmem:s15], [sflag:$0x7] =	stream.linear.gather [hbm4b:s7+s4], $0x2710, $0x38;
	[tilespmem:$0x1FF80] =	vst v63  }
0x24: {  	_ =	swait.ge [sflag:s14], $0x2710  }
0x25: {  	[sflag:s14] =	ssyncset.done $0x0  }
0x26: {  	[sflag:s14] =	ssyncadd.s32 $0xFFFFD8F0  }
0x27: {  	[tilespmem:s17], [sflag:$0x1] =	stream.indirect.gather [hbm4b:s1+s16], $0x80, s4, s16, $0xb8;
	[tilespmem:$0x1FF80] =	vst v63  }
0x28: {  	_ = 	snop  }
0x29: {  	[tilespmem:s18], [sflag:$0x2] =	stream.indirect.gather [hbm4b:s1+s16], $0x80, s16, s16, $0xb8;
	[tilespmem:$0x1FF80] =	vst v63  }
0x2a: {  	_ =	swait.ge [sflag:s19], $0x2800  }
0x2b: {  	[sflag:s19] =	ssyncset.done $0x0  }
0x2c: {  	[sflag:s19] =	ssyncadd.s32 $0xFFFFD800  }
0x2d: {  	[spmem:s3] =	stream.indirect.scatter.add.f32 [tilespmem:s17], [sflag:$0x4], $0x80, s15, s16, $0xb8;
	[tilespmem:$0x1FF80] =	vst v63  }
0x2e: {  	s28 =	simm.s32 $0xA0  }
0x2f: {  	[tilespmem:s21], [sflag:$0x3] =	stream.indirect.gather [hbm4b:s1+s16], $0x80, s28, s16, $0xb8;
	[tilespmem:$0x1FF80] =	vst v63  }
0x30: {  	_ =	swait.ge [sflag:s22], $0x2800  }
0x31: {  	[sflag:s22] =	ssyncset.done $0x0  }
0x32: {  	s25 =	simm.s32 $0x27D0;
	[sflag:s22] =	ssyncadd.s32 $0xFFFFD800  }
0x33: {  	[spmem:s3] =	stream.indirect.scatter.add.f32 [tilespmem:s18], [sflag:$0x5], $0x80, s25, s16, $0xb8;
	[tilespmem:$0x1FF80] =	vst v63  }
0x34: {  	_ =	swait.ge [sflag:s24], $0x2800  }
0x35: {  	[sflag:s24] =	ssyncset.done $0x0  }
0x36: {  	s28 =	simm.s32 $0xF0;
	[sflag:s24] =	ssyncadd.s32 $0xFFFFD800  }
0x37: {  	[tilespmem:s17], [sflag:$0x1] =	stream.indirect.gather [hbm4b:s1+s16], $0x80, s28, s16, $0xb8;
	[tilespmem:$0x1FF80] =	vst v63  }
0x38: {  	_ =	swait.ge [sflag:s26], $0x2800  }
0x39: {  	[sflag:s26] =	ssyncset.done $0x0  }
0x3a: {  	s25 =	simm.s32 $0x2820;
	[sflag:s26] =	ssyncadd.s32 $0xFFFFD800  }
0x3b: {  	[spmem:s3] =	stream.indirect.scatter.add.f32 [tilespmem:s21], [sflag:$0x6], $0x80, s25, s16, $0xb8;
	[tilespmem:$0x1FF80] =	vst v63  }
0x3c: {  	_ =	swait.ge [sflag:s29], $0x2800  }
0x3d: {  	[sflag:s29] =	ssyncset.done $0x0  }
0x3e: {  	[sflag:s29] =	ssyncadd.s32 $0xFFFFD800  }
0x3f: {  	[tilespmem:s18], [sflag:$0x2] =	stream.indirect.gather [hbm4b:s1+s16], $0x80, s30, s16, $0xb8;
	[tilespmem:$0x1FF80] =	vst v63  }
0x40: {  	_ =	swait.ge [sflag:s19], $0x2800  }
0x41: {  	[sflag:s19] =	ssyncset.done $0x0  }
0x42: {  	s28 =	simm.s32 $0x2870;
	[sflag:s19] =	ssyncadd.s32 $0xFFFFD800  }
0x43: {  	[spmem:s3] =	stream.indirect.scatter.add.f32 [tilespmem:s17], [sflag:$0x4], $0x80, s28, s16, $0xb8;
	[tilespmem:$0x1FF80] =	vst v63  }
0x44: {  	_ =	swait.ge [sflag:s31], $0x2800  }
0x45: {  	[sflag:s31] =	ssyncset.done $0x0  }
0x46: {  	s25 =	simm.s32 $0x190;
	[sflag:s31] =	ssyncadd.s32 $0xFFFFD800  }
0x47: {  	[tilespmem:s21], [sflag:$0x3] =	stream.indirect.gather [hbm4b:s1+s16], $0x80, s25, s16, $0xb8;
	[tilespmem:$0x1FF80] =	vst v63  }
0x48: {  	_ =	swait.ge [sflag:s22], $0x2800  }
0x49: {  	[sflag:s22] =	ssyncset.done $0x0  }
0x4a: {  	s28 =	simm.s32 $0x28C0;
	[sflag:s22] =	ssyncadd.s32 $0xFFFFD800  }
0x4b: {  	[spmem:s3] =	stream.indirect.scatter.add.f32 [tilespmem:s18], [sflag:$0x5], $0x80, s28, s16, $0xb8;
	[tilespmem:$0x1FF80] =	vst v63  }
0x4c: {  	_ =	swait.ge [sflag:s24], $0x2800  }
0x4d: {  	[sflag:s24] =	ssyncset.done $0x0  }
0x4e: {  	s25 =	simm.s32 $0x1E0;
	[sflag:s24] =	ssyncadd.s32 $0xFFFFD800  }
0x4f: {  	[tilespmem:s17], [sflag:$0x1] =	stream.indirect.gather [hbm4b:s1+s16], $0x80, s25, s16, $0xb8;
	[tilespmem:$0x1FF80] =	vst v63  }
0x50: {  	_ =	swait.ge [sflag:s26], $0x2800  }
0x51: {  	[sflag:s26] =	ssyncset.done $0x0  }
0x52: {  	s28 =	simm.s32 $0x2910;
	[sflag:s26] =	ssyncadd.s32 $0xFFFFD800  }
0x53: {  	[spmem:s3] =	stream.indirect.scatter.add.f32 [tilespmem:s21], [sflag:$0x6], $0x80, s28, s16, $0xb8;
	[tilespmem:$0x1FF80] =	vst v63  }
0x54: {  	_ =	swait.ge [sflag:s29], $0x2800  }
0x55: {  	[sflag:s29] =	ssyncset.done $0x0  }
0x56: {  	s23 =	simm.s32 $0x3C0;
	s25 =	simm.s32 $0x230;
	[sflag:s29] =	ssyncadd.s32 $0xFFFFD800  }
.LBB2_2:
0x57: {  	[tilespmem:s18], [sflag:$0x2] =	stream.indirect.gather [hbm4b:s1+s16], $0x80, s25, s16, $0xb8;
	[tilespmem:$0x1FF80] =	vst v63  }
0x58: {  	s25 =	smov.u32 s23  }
0x59: {  	p1 =	sne.s32 s23, $0x9240;
	s23 =	sadd.s32 $0x3C0, s23;
	_ =	swait.ge [sflag:s19], $0x2800  }
0x5a: {  	s25 =	sshra.s32 s25, $0x2;
	[sflag:s19] =	ssyncset.done $0x0  }
0x5b: {  	s28 =	sadd.s32 $0x2870, s25;
	[sflag:s19] =	ssyncadd.s32 $0xFFFFD800  }
0x5c: {  	[spmem:s3] =	stream.indirect.scatter.add.f32 [tilespmem:s17], [sflag:$0x4], $0x80, s28, s16, $0xb8;
	[tilespmem:$0x1FF80] =	vst v63  }
0x5d: {  	_ =	swait.ge [sflag:s31], $0x2800  }
0x5e: {  	[sflag:s31] =	ssyncset.done $0x0  }
0x5f: {  	s28 =	sadd.s32 $0x190, s25;
	[sflag:s31] =	ssyncadd.s32 $0xFFFFD800  }
0x60: {  	[tilespmem:s21], [sflag:$0x3] =	stream.indirect.gather [hbm4b:s1+s16], $0x80, s28, s16, $0xb8;
	[tilespmem:$0x1FF80] =	vst v63  }
0x61: {  	_ =	swait.ge [sflag:s22], $0x2800  }
0x62: {  	[sflag:s22] =	ssyncset.done $0x0  }
0x63: {  	s28 =	sadd.s32 $0x28C0, s25;
	[sflag:s22] =	ssyncadd.s32 $0xFFFFD800  }
0x64: {  	[spmem:s3] =	stream.indirect.scatter.add.f32 [tilespmem:s18], [sflag:$0x5], $0x80, s28, s16, $0xb8;
	[tilespmem:$0x1FF80] =	vst v63  }
0x65: {  	_ =	swait.ge [sflag:s24], $0x2800  }
0x66: {  	[sflag:s24] =	ssyncset.done $0x0  }
0x67: {  	s28 =	sadd.s32 $0x1E0, s25;
	[sflag:s24] =	ssyncadd.s32 $0xFFFFD800  }
0x68: {  	[tilespmem:s17], [sflag:$0x1] =	stream.indirect.gather [hbm4b:s1+s16], $0x80, s28, s16, $0xb8;
	[tilespmem:$0x1FF80] =	vst v63  }
0x69: {  	_ =	swait.ge [sflag:s26], $0x2800  }
0x6a: {  	[sflag:s26] =	ssyncset.done $0x0  }
.Ltmp0:
0x6b: {  	s28 =	sadd.s32 $0x2910, s25;
	[sflag:s26] =	ssyncadd.s32 $0xFFFFD800;
	(pc) =	sbr.rel @p1 .LBB2_2-.Ltmp0, $4  }
0x6c: {  	[spmem:s3] =	stream.indirect.scatter.add.f32 [tilespmem:s21], [sflag:$0x6], $0x80, s28, s16, $0xb8;
	[tilespmem:$0x1FF80] =	vst v63  }
0x6d: {  	_ =	swait.ge [sflag:s29], $0x2800  }
0x6e: {  	[sflag:s29] =	ssyncset.done $0x0  }
0x6f: {  	s25 =	sadd.s32 $0x230, s25;
	[sflag:s29] =	ssyncadd.s32 $0xFFFFD800  }
0x70: {  	[tilespmem:s18], [sflag:$0x2] =	stream.indirect.gather [hbm4b:s1+s16], $0x80, s25, s16, $0xb8;
	[tilespmem:$0x1FF80] =	vst v63  }
0x71: {  	_ =	swait.ge [sflag:s19], $0x2800  }
0x72: {  	[sflag:s19] =	ssyncset.done $0x0  }
0x73: {  	[sflag:s19] =	ssyncadd.s32 $0xFFFFD800  }
0x74: {  	[spmem:s3] =	stream.indirect.scatter.add.f32 [tilespmem:s17], [sflag:$0x4], $0x80, s2, s16, $0xb8;
	[tilespmem:$0x1FF80] =	vst v63  }
0x75: {  	_ =	swait.ge [sflag:s22], $0x2800  }
0x76: {  	[sflag:s22] =	ssyncset.done $0x0  }
0x77: {  	[sflag:s22] =	ssyncadd.s32 $0xFFFFD800  }
0x78: {  	[spmem:s3] =	stream.indirect.scatter.add.f32 [tilespmem:s18], [sflag:$0x5], $0x80, s0, s16, $0xb8;
	[tilespmem:$0x1FF80] =	vst v63  }
0x79: {  	_ =	swait.ge [sflag:s31], $0x2800  }
0x7a: {  	[sflag:s31] =	ssyncset.done $0x0  }
0x7b: {  	[sflag:s31] =	ssyncadd.s32 $0xFFFFD800  }
0x7c: {  	_ =	swait.ge [sflag:s24], $0x2800  }
0x7d: {  	[sflag:s24] =	ssyncset.done $0x0  }
0x7e: {  	[sflag:s24] =	ssyncadd.s32 $0xFFFFD800  }
0x7f: {  	_ =	swait.ge [sflag:s29], $0x2800  }
0x80: {  	[sflag:s29] =	ssyncset.done $0x0  }
0x81: {  	[sflag:s29] =	ssyncadd.s32 $0xFFFFD800  }
0x82: {  	s23 =	simm.s32 @p0 $0x1FC7;
	[bflag:$0x0] =	sbarrier.arrive $0xFFFF  }
0x83: {  	[hbm:s9], [sflag:s23] =	dma.local @p0 [spmem:s11], $0x2080  }
0x84: {  	s23 =	simm.s32 @p0 $0x7  }
0x85: {  	s20 =	sadd.s32 $0x1, s20;
	_ =	swait.ge @p0 [sflag:s23], $0x2080  }
0x86: {  	p1 =	sne.s32 s20, s10;
	[sflag:s23] =	ssyncset.done @p0 $0x0  }
.Ltmp1:
0x87: {  	[sflag:s23] =	ssyncadd.s32 @p0 $0xFFFFDF80;
	s23 =	simm.s32 @!p0 $0x7;
	(pc) =	sbr.rel @p1 .LBB2_1-.Ltmp1, $4  }
0x88: {  	[hbm:s8], [sflag:s12] =	dma.local @!p0 [spmem:s13], $0x2780  }
0x89: {  	_ =	swait.ge @!p0 [sflag:s23], $0x2780  }
0x8a: {  	[sflag:s23] =	ssyncset.done @!p0 $0x0  }
0x8b: {  	[sflag:s23] =	ssyncadd.s32 @!p0 $0xFFFFD880  }
0x8c: {  	_ =	sfence.sel $0x180000  }
0x8d: {  	[bflag:$0x0] =	sbarrier.arrive $0xFFFF  }
0x8e: {  	_ =	strace $0x9000004A  }
0x8f: {  	s0 =	stileid.u32;
	[bflag:$0x2] =	sbarrier.arrive $0xFFFF  }
0x90: {  	p0 =	sne.s32 s0, $0x0;
	s0 =	rddreg [dreg:$0x3]  }
0x91: {  	s0 =	sadd.s32 @!p0 $0x100000, s0  }
0x92: {  	[sflag:s0] =	ssyncadd.tile.s32 @!p0 $0x1;
	_ =	shalt  }
.Lfunc_end2:
_tile_overlayer_lowered:
.L_overlay_start_2:
0x93: {  	(tag) =	ssettag $0x2  }
0x94: {  	s0 =	rddreg [dreg:$0x0];
	s2 =	stileid.u32  }
0x95: {  	s1 =	rddreg [dreg:$0x1];
	p0 =	sne.s32 s2, $0x0  }
0x96: {  	s3 =	rddreg [dreg:$0x2];
	[bflag:$0x3] =	sbarrier.arrive $0xFFFF;
	s2 =	simm.s32 @!p0 $0x1C07  }
0x97: {  	[timem:s3], [sflag:s2] =	dma.local @!p0 [hbm:s0], s1  }
0x98: {  	s0 =	simm.s32 @!p0 $0x7  }
0x99: {  	_ =	swait.ge @!p0 [sflag:s0], s1  }
0x9a: {  	s1 =	ssub.s32 @!p0 $0x0, s1;
	[sflag:s0] =	ssyncset.done @!p0 $0x0  }
0x9b: {  	[sflag:s0] =	ssyncadd.s32 @!p0 s1  }
0x9c: {  	[bflag:$0x3] =	sbarrier.arrive $0xFFFF  }
0x9d: {  	_ =	shalt  }

</sc_bundles>
